<compile_context>
chip_gen: v7x
topology: tpu7x:2x2x1
jax: 0.10.2.dev20260603
libtpu: 0.0.44.dev20260713+nightly
codegen_flags: <defaults>
</compile_context>

<pallas_src>
import functools

import jax
import jax.numpy as jnp
from jax import lax
from jax.experimental import pallas as pl
from jax.experimental.pallas import tpu as pltpu
from jax.experimental.pallas import tpu_sc as plsc

N = 10000
E = 320000
D = 128
NC = 2
NS = 16
NW = NC * NS
EPW = E // NW
B = 80
NB = EPW // B
ACCR = 10240
ZPT = ACCR // NS
ZR = 128
WPT = 624


def _agg_body(h_hbm, src_hbm, dst_hbm, out_hbm, acc_sh, zbuf, srcv, dstv, rows, sem):
    c = lax.axis_index("c")
    s = lax.axis_index("s")
    w = s * NC + c

    def zfill(i, carry):
        zbuf[i // 8, pl.ds((i % 8) * 16, 16)] = jnp.zeros((16,), jnp.float32)
        return carry

    lax.fori_loop(0, ZR * 8, zfill, 0)
    for j in range(ZPT // ZR):
        pltpu.sync_copy(zbuf, acc_sh.at[pl.ds(s * ZPT + j * ZR, ZR)])
    plsc.subcore_barrier()

    base = w * EPW

    def body(i, carry):
        off = base + i * B
        pltpu.sync_copy(src_hbm.at[pl.ds(off, B)], srcv)
        pltpu.sync_copy(dst_hbm.at[pl.ds(off, B)], dstv)
        pltpu.async_copy(h_hbm.at[srcv], rows, sem).wait()
        pltpu.sync_copy(rows, acc_sh.at[dstv], add=True)
        return carry

    lax.fori_loop(0, NB, body, 0)
    plsc.subcore_barrier()
    pltpu.sync_copy(acc_sh.at[pl.ds(s * WPT, WPT)],
                    out_hbm.at[c, pl.ds(s * WPT, WPT)])

    @pl.when(s == 0)
    def _tail():
        pltpu.sync_copy(acc_sh.at[pl.ds(NS * WPT, N - NS * WPT)],
                        out_hbm.at[c, pl.ds(NS * WPT, N - NS * WPT)])


_agg = pl.kernel(
    _agg_body,
    mesh=plsc.VectorSubcoreMesh(core_axis_name="c", subcore_axis_name="s"),
    out_type=jax.ShapeDtypeStruct((NC, N, D), jnp.float32),
    scratch_types=[
        pltpu.VMEM_SHARED((ACCR, D), jnp.float32),
        pltpu.VMEM((ZR, D), jnp.float32),
        pltpu.VMEM((B,), jnp.int32),
        pltpu.VMEM((B,), jnp.int32),
        pltpu.VMEM((B, D), jnp.float32),
        pltpu.SemaphoreType.DMA,
    ],
)



_GB = 1000


def _mm_body(x_ref, w_ref, o_ref):
    o_ref[...] = jnp.dot(x_ref[...], w_ref[...],
                         preferred_element_type=jnp.float32)


def _relu_mm_body(p_ref, b_ref, w_ref, o_ref):
    h = jnp.maximum(p_ref[0] + p_ref[1] + b_ref[...], 0.0)
    o_ref[...] = jnp.dot(h, w_ref[...], preferred_element_type=jnp.float32)


def _relu_add_body(p_ref, b_ref, o_ref):
    o_ref[...] = jnp.maximum(p_ref[0] + p_ref[1] + b_ref[...], 0.0)


def _add_mm_body(p_ref, b_ref, w_ref, o_ref):
    o_ref[...] = jnp.dot(p_ref[0] + p_ref[1], w_ref[...],
                         preferred_element_type=jnp.float32) + b_ref[...]


def _mm(x, w):
    return pl.pallas_call(
        _mm_body,
        grid=(N // _GB,),
        in_specs=[pl.BlockSpec((_GB, D), lambda i: (i, 0)),
                  pl.BlockSpec((D, D), lambda i: (0, 0))],
        out_specs=pl.BlockSpec((_GB, D), lambda i: (i, 0)),
        out_shape=jax.ShapeDtypeStruct((N, D), jnp.float32),
    )(x, w)


def _relu_mm(p, b, w):
    return pl.pallas_call(
        _relu_mm_body,
        grid=(N // _GB,),
        in_specs=[pl.BlockSpec((2, _GB, D), lambda i: (0, i, 0)),
                  pl.BlockSpec((1, D), lambda i: (0, 0)),
                  pl.BlockSpec((D, D), lambda i: (0, 0))],
        out_specs=pl.BlockSpec((_GB, D), lambda i: (i, 0)),
        out_shape=jax.ShapeDtypeStruct((N, D), jnp.float32),
    )(p, b, w)


def _relu_add(p, b):
    return pl.pallas_call(
        _relu_add_body,
        grid=(N // _GB,),
        in_specs=[pl.BlockSpec((2, _GB, D), lambda i: (0, i, 0)),
                  pl.BlockSpec((1, D), lambda i: (0, 0))],
        out_specs=pl.BlockSpec((_GB, D), lambda i: (i, 0)),
        out_shape=jax.ShapeDtypeStruct((N, D), jnp.float32),
    )(p, b)


def _add_mm(p, b, w):
    return pl.pallas_call(
        _add_mm_body,
        grid=(N // _GB,),
        in_specs=[pl.BlockSpec((2, _GB, D), lambda i: (0, i, 0)),
                  pl.BlockSpec((1, D), lambda i: (0, 0)),
                  pl.BlockSpec((D, D), lambda i: (0, 0))],
        out_specs=pl.BlockSpec((_GB, D), lambda i: (i, 0)),
        out_shape=jax.ShapeDtypeStruct((N, D), jnp.float32),
    )(p, b, w)


def kernel(features, edge_index, W0, b0, W1, b1, W2, b2):
    src = edge_index[0]
    dst = edge_index[1]
    w2p = jnp.zeros((D, D), jnp.float32).at[:, : W2.shape[1]].set(W2)
    b2p = jnp.zeros((1, D), jnp.float32).at[:, : W2.shape[1]].set(b2)

    y0 = _mm(features, W0)
    p0 = _agg(y0, src, dst)
    y1 = _relu_mm(p0, b0.reshape(1, D), W1)
    p1 = _agg(y1, src, dst)
    h1 = _relu_add(p1, b1.reshape(1, D))
    p2 = _agg(h1, src, dst)
    out = _add_mm(p2, b2p, w2p)
    return out[:, : W2.shape[1]]

# --- scband reference (transcript-rebuilt; emitter-appended) ---
"""Pipeline reference for scband-gcn-1211180778044 (READ-ONLY COPY).

The authoritative reference and input builder live on the scoring server;
editing this copy changes nothing except your own understanding.
"""

import jax, jax.numpy as jnp
import numpy as np

N = 10000
E = 320000
D_IN = 128
D_H = 128
N_CLASSES = 40


def setup_inputs(seed: int = 0) -> dict:
    key = jax.random.key(seed)
    ks = jax.random.split(key, 9)
    features = jax.random.normal(ks[0], (N, D_IN), dtype=jnp.float32)
    edge_index = jax.random.randint(ks[1], (2, E), 0, N, dtype=jnp.int32)
    W0 = jax.random.normal(ks[2], (D_IN, D_H), dtype=jnp.float32) / np.sqrt(D_IN)
    b0 = jnp.zeros((D_H,), dtype=jnp.float32)
    W1 = jax.random.normal(ks[3], (D_H, D_H), dtype=jnp.float32) / np.sqrt(D_H)
    b1 = jnp.zeros((D_H,), dtype=jnp.float32)
    W2 = jax.random.normal(ks[4], (D_H, N_CLASSES), dtype=jnp.float32) / np.sqrt(D_H)
    b2 = jnp.zeros((N_CLASSES,), dtype=jnp.float32)
    return {"features": features, "edge_index": edge_index,
            "W0": W0, "b0": b0, "W1": W1, "b1": b1, "W2": W2, "b2": b2}


def reference(features, edge_index, W0, b0, W1, b1, W2, b2):
    # GCN with 3 GraphConv layers (norm='none'), DGL semantics:
    # sum-aggregation over edges; mult-then-aggregate when in<=out,
    # aggregate-then-mult when in>out. Dropout is identity (eval mode).
    src = edge_index[0]
    dst = edge_index[1]

    def aggregate(h):
        # scatter-add of source node features into destination nodes
        return jax.ops.segment_sum(h[src], dst, num_segments=N)

    # Layer 0: in_feats(128) <= n_hidden(128) -> mult then aggregate
    h = aggregate(features @ W0) + b0
    h = jax.nn.relu(h)
    # Layer 1: n_hidden -> n_hidden, mult then aggregate
    h = aggregate(h @ W1) + b1
    h = jax.nn.relu(h)
    # Layer 2: n_hidden(128) > n_classes(40) -> aggregate then mult; no activation
    h = aggregate(h) @ W2 + b2
    return h

if __name__ == "__main__":
    import jax
    _d = setup_inputs()
    print(jax.jit(kernel)(*tuple(_d.values())))

</pallas_src>

<mosaic_0001>
#map = affine_map<(d0, d1) -> (0, 0)>
#map1 = affine_map<(d0, d1) -> (0)>
#map2 = affine_map<(d0, d1) -> (0, 0, 0)>
module attributes {stable_mosaic.version = 14 : i64} {
  func.func @_agg_body(%arg0: i32, %arg1: i32, %arg2: memref<10000x128xf32, #tpu.memory_space<hbm>>, %arg3: memref<320000xi32, #tpu.memory_space<hbm>>, %arg4: memref<320000xi32, #tpu.memory_space<hbm>>, %arg5: memref<2x10000x128xf32, #tpu.memory_space<hbm>>, %arg6: memref<10240x128xf32, #tpu.memory_space<vmem_shared>>, %arg7: memref<128x128xf32, #tpu.memory_space<vmem>>, %arg8: memref<80xi32, #tpu.memory_space<vmem>>, %arg9: memref<80xi32, #tpu.memory_space<vmem>>, %arg10: memref<80x128xf32, #tpu.memory_space<vmem>>, %arg11: memref<!tpu.dma_semaphore, #tpu.memory_space<semaphore_mem>>) attributes {dimension_semantics = [#tpu.dimension_semantics<core_parallel>, #tpu.dimension_semantics<subcore_parallel>], iteration_bounds = array<i64: 2, 16>, scalar_prefetch = 0 : i64, scratch_operands = 6 : i64, tpu.core_type = #tpu.core_type<sc_vector_subcore>, window_params = [{transform_indices = #map}, {transform_indices = #map1}, {transform_indices = #map1}, {transform_indices = #map2}]} {
    %mul3A = arith.constant 2 : i32
    %mul3A_0 = arith.muli %arg1, %mul3A : i32
    %add3A = arith.addi %mul3A_0, %arg0 : i32
    %scan3A = arith.constant 0 : i32
    %scan3A_1 = arith.constant 0 : i32
    %scan3A_2 = arith.constant 1024 : i32
    %scan3A_3 = arith.addi %scan3A_1, %scan3A_2 : i32
    %scan3A_4 = arith.constant 1 : i32
    scf.for %scan3A_41 = %scan3A_1 to %scan3A_3 step %scan3A_4  : i32 {
      %broadcast_in_dim3A = arith.constant 0.000000e+00 : f32
      %broadcast_in_dim3A_42 = vector.broadcast %broadcast_in_dim3A : f32 to vector<16xf32>
      %jit3A = arith.constant 8 : i32
      %div3A = arith.divsi %scan3A_41, %jit3A : i32
      %sign3A = arith.constant 0 : i32
      %sign3A_43 = arith.cmpi sgt, %scan3A_41, %sign3A : i32
      %sign3A_44 = arith.extui %sign3A_43 : i1 to i32
      %sign3A_45 = arith.constant 0 : i32
      %sign3A_46 = arith.cmpi slt, %scan3A_41, %sign3A_45 : i32
      %sign3A_47 = arith.extui %sign3A_46 : i1 to i32
      %sign3A_48 = arith.subi %sign3A_44, %sign3A_47 : i32
      %sign3A_49 = arith.constant 0 : i32
      %sign3A_50 = arith.cmpi sgt, %jit3A, %sign3A_49 : i32
      %sign3A_51 = arith.extui %sign3A_50 : i1 to i32
      %sign3A_52 = arith.constant 0 : i32
      %sign3A_53 = arith.cmpi slt, %jit3A, %sign3A_52 : i32
      %sign3A_54 = arith.extui %sign3A_53 : i1 to i32
      %sign3A_55 = arith.subi %sign3A_51, %sign3A_54 : i32
      %ne3A = arith.cmpi ne, %sign3A_48, %sign3A_55 : i32
      %rem3A = arith.remsi %scan3A_41, %jit3A : i32
      %ne3A_56 = arith.constant 0 : i32
      %ne3A_57 = arith.cmpi ne, %rem3A, %ne3A_56 : i32
      %and3A = arith.andi %ne3A, %ne3A_57 : i1
      %sub3A = arith.constant 1 : i32
      %sub3A_58 = arith.subi %div3A, %sub3A : i32
      %select_n3A = arith.select %and3A, %sub3A_58, %div3A : i32
      %jit3A_59 = arith.constant 8 : i32
      %eq3A_60 = arith.constant 0 : i32
      %eq3A_61 = arith.cmpi eq, %jit3A_59, %eq3A_60 : i32
      %jit3A_62 = arith.constant 1 : i32
      %select_n3A_63 = arith.select %eq3A_61, %jit3A_62, %jit3A_59 : i32
      %rem3A_64 = arith.remsi %scan3A_41, %select_n3A_63 : i32
      %ne3A_65 = arith.constant 0 : i32
      %ne3A_66 = arith.cmpi ne, %rem3A_64, %ne3A_65 : i32
      %lt3A = arith.constant 0 : i32
      %lt3A_67 = arith.cmpi slt, %rem3A_64, %lt3A : i32
      %lt3A_68 = arith.constant 0 : i32
      %lt3A_69 = arith.cmpi slt, %select_n3A_63, %lt3A_68 : i32
      %ne3A_70 = arith.xori %lt3A_67, %lt3A_69 : i1
      %and3A_71 = arith.andi %ne3A_70, %ne3A_66 : i1
      %add3A_72 = arith.addi %rem3A_64, %select_n3A_63 : i32
      %select_n3A_73 = arith.select %and3A_71, %add3A_72, %rem3A_64 : i32
      %mul3A_74 = arith.constant 16 : i32
      %mul3A_75 = arith.muli %select_n3A_73, %mul3A_74 : i32
      %swap3A = arith.index_cast %select_n3A : i32 to index
      %swap3A_76 = arith.index_cast %mul3A_75 : i32 to index
      %swap3A_77 = tpu.vector_load %arg7[%swap3A, %swap3A_76] {strides = array<i32>} : memref<128x128xf32, #tpu.memory_space<vmem>>, vector<1x16xf32>,
      %swap3A_78 = vector.shape_cast %swap3A_77 : vector<1x16xf32> to vector<16xf32>
      %swap3A_79 = vector.shape_cast %broadcast_in_dim3A_42 : vector<16xf32> to vector<1x16xf32>
      tpu.vector_store %arg7[%swap3A, %swap3A_76], %swap3A_79 {strides = array<i32>} : memref<128x128xf32, #tpu.memory_space<vmem>>, vector<1x16xf32>,
    }
    %scan3A_5 = arith.constant 1024 : i32
    %mul3A_6 = arith.constant 640 : i32
    %mul3A_7 = arith.muli %arg1, %mul3A_6 : i32
    %add3A_8 = arith.constant 0 : i32
    %add3A_9 = arith.addi %mul3A_7, %add3A_8 : i32
    "tpu.region"() ({
      %run_scoped3A = tpu.sem_alloc : memref<!tpu.dma_semaphore, #tpu.memory_space<semaphore_mem>>
      %dma_start3A = arith.constant 0 : i32
      %dma_start3A_41 = tpu.memref_slice %arg6[%add3A_9, %dma_start3A] : memref<10240x128xf32, #tpu.memory_space<vmem_shared>> -> memref<128x128xf32, #tpu.memory_space<vmem_shared>>
      %dma_start3A_42 = arith.constant 0 : i32
      %dma_start3A_43 = tpu.memref_slice %arg6[%add3A_9, %dma_start3A_42] : memref<10240x128xf32, #tpu.memory_space<vmem_shared>> -> memref<128x128xf32, #tpu.memory_space<vmem_shared>>
      tpu.enqueue_dma source(%arg7 : memref<128x128xf32, #tpu.memory_space<vmem>>) target(%dma_start3A_43 : memref<128x128xf32, #tpu.memory_space<vmem_shared>>) target_semaphore(%run_scoped3A : memref<!tpu.dma_semaphore, #tpu.memory_space<semaphore_mem>>)
      %dma_wait3A = arith.constant 0 : i32
      %dma_wait3A_44 = tpu.memref_slice %arg6[%add3A_9, %dma_wait3A] : memref<10240x128xf32, #tpu.memory_space<vmem_shared>> -> memref<128x128xf32, #tpu.memory_space<vmem_shared>>
      %dma_wait3A_45 = arith.constant 0 : i32
      %dma_wait3A_46 = tpu.memref_slice %arg6[%add3A_9, %dma_wait3A_45] : memref<10240x128xf32, #tpu.memory_space<vmem_shared>> -> memref<128x128xf32, #tpu.memory_space<vmem_shared>>
      tpu.wait_dma2 semaphore(%run_scoped3A : memref<!tpu.dma_semaphore, #tpu.memory_space<semaphore_mem>>) src(%arg7 : memref<128x128xf32, #tpu.memory_space<vmem>>) dst(%dma_wait3A_46 : memref<128x128xf32, #tpu.memory_space<vmem_shared>>)
      tpu.yield
    }) : () -> ()
    %mul3A_10 = arith.constant 640 : i32
    %mul3A_11 = arith.muli %arg1, %mul3A_10 : i32
    %add3A_12 = arith.constant 128 : i32
    %add3A_13 = arith.addi %mul3A_11, %add3A_12 : i32
    "tpu.region"() ({
      %run_scoped3A = tpu.sem_alloc : memref<!tpu.dma_semaphore, #tpu.memory_space<semaphore_mem>>
      %dma_start3A = arith.constant 0 : i32
      %dma_start3A_41 = tpu.memref_slice %arg6[%add3A_13, %dma_start3A] : memref<10240x128xf32, #tpu.memory_space<vmem_shared>> -> memref<128x128xf32, #tpu.memory_space<vmem_shared>>
      %dma_start3A_42 = arith.constant 0 : i32
      %dma_start3A_43 = tpu.memref_slice %arg6[%add3A_13, %dma_start3A_42] : memref<10240x128xf32, #tpu.memory_space<vmem_shared>> -> memref<128x128xf32, #tpu.memory_space<vmem_shared>>
      tpu.enqueue_dma source(%arg7 : memref<128x128xf32, #tpu.memory_space<vmem>>) target(%dma_start3A_43 : memref<128x128xf32, #tpu.memory_space<vmem_shared>>) target_semaphore(%run_scoped3A : memref<!tpu.dma_semaphore, #tpu.memory_space<semaphore_mem>>)
      %dma_wait3A = arith.constant 0 : i32
      %dma_wait3A_44 = tpu.memref_slice %arg6[%add3A_13, %dma_wait3A] : memref<10240x128xf32, #tpu.memory_space<vmem_shared>> -> memref<128x128xf32, #tpu.memory_space<vmem_shared>>
      %dma_wait3A_45 = arith.constant 0 : i32
      %dma_wait3A_46 = tpu.memref_slice %arg6[%add3A_13, %dma_wait3A_45] : memref<10240x128xf32, #tpu.memory_space<vmem_shared>> -> memref<128x128xf32, #tpu.memory_space<vmem_shared>>
      tpu.wait_dma2 semaphore(%run_scoped3A : memref<!tpu.dma_semaphore, #tpu.memory_space<semaphore_mem>>) src(%arg7 : memref<128x128xf32, #tpu.memory_space<vmem>>) dst(%dma_wait3A_46 : memref<128x128xf32, #tpu.memory_space<vmem_shared>>)
      tpu.yield
    }) : () -> ()
    %mul3A_14 = arith.constant 640 : i32
    %mul3A_15 = arith.muli %arg1, %mul3A_14 : i32
    %add3A_16 = arith.constant 256 : i32
    %add3A_17 = arith.addi %mul3A_15, %add3A_16 : i32
    "tpu.region"() ({
      %run_scoped3A = tpu.sem_alloc : memref<!tpu.dma_semaphore, #tpu.memory_space<semaphore_mem>>
      %dma_start3A = arith.constant 0 : i32
      %dma_start3A_41 = tpu.memref_slice %arg6[%add3A_17, %dma_start3A] : memref<10240x128xf32, #tpu.memory_space<vmem_shared>> -> memref<128x128xf32, #tpu.memory_space<vmem_shared>>
      %dma_start3A_42 = arith.constant 0 : i32
      %dma_start3A_43 = tpu.memref_slice %arg6[%add3A_17, %dma_start3A_42] : memref<10240x128xf32, #tpu.memory_space<vmem_shared>> -> memref<128x128xf32, #tpu.memory_space<vmem_shared>>
      tpu.enqueue_dma source(%arg7 : memref<128x128xf32, #tpu.memory_space<vmem>>) target(%dma_start3A_43 : memref<128x128xf32, #tpu.memory_space<vmem_shared>>) target_semaphore(%run_scoped3A : memref<!tpu.dma_semaphore, #tpu.memory_space<semaphore_mem>>)
      %dma_wait3A = arith.constant 0 : i32
      %dma_wait3A_44 = tpu.memref_slice %arg6[%add3A_17, %dma_wait3A] : memref<10240x128xf32, #tpu.memory_space<vmem_shared>> -> memref<128x128xf32, #tpu.memory_space<vmem_shared>>
      %dma_wait3A_45 = arith.constant 0 : i32
      %dma_wait3A_46 = tpu.memref_slice %arg6[%add3A_17, %dma_wait3A_45] : memref<10240x128xf32, #tpu.memory_space<vmem_shared>> -> memref<128x128xf32, #tpu.memory_space<vmem_shared>>
      tpu.wait_dma2 semaphore(%run_scoped3A : memref<!tpu.dma_semaphore, #tpu.memory_space<semaphore_mem>>) src(%arg7 : memref<128x128xf32, #tpu.memory_space<vmem>>) dst(%dma_wait3A_46 : memref<128x128xf32, #tpu.memory_space<vmem_shared>>)
      tpu.yield
    }) : () -> ()
    %mul3A_18 = arith.constant 640 : i32
    %mul3A_19 = arith.muli %arg1, %mul3A_18 : i32
    %add3A_20 = arith.constant 384 : i32
    %add3A_21 = arith.addi %mul3A_19, %add3A_20 : i32
    "tpu.region"() ({
      %run_scoped3A = tpu.sem_alloc : memref<!tpu.dma_semaphore, #tpu.memory_space<semaphore_mem>>
      %dma_start3A = arith.constant 0 : i32
      %dma_start3A_41 = tpu.memref_slice %arg6[%add3A_21, %dma_start3A] : memref<10240x128xf32, #tpu.memory_space<vmem_shared>> -> memref<128x128xf32, #tpu.memory_space<vmem_shared>>
      %dma_start3A_42 = arith.constant 0 : i32
      %dma_start3A_43 = tpu.memref_slice %arg6[%add3A_21, %dma_start3A_42] : memref<10240x128xf32, #tpu.memory_space<vmem_shared>> -> memref<128x128xf32, #tpu.memory_space<vmem_shared>>
      tpu.enqueue_dma source(%arg7 : memref<128x128xf32, #tpu.memory_space<vmem>>) target(%dma_start3A_43 : memref<128x128xf32, #tpu.memory_space<vmem_shared>>) target_semaphore(%run_scoped3A : memref<!tpu.dma_semaphore, #tpu.memory_space<semaphore_mem>>)
      %dma_wait3A = arith.constant 0 : i32
      %dma_wait3A_44 = tpu.memref_slice %arg6[%add3A_21, %dma_wait3A] : memref<10240x128xf32, #tpu.memory_space<vmem_shared>> -> memref<128x128xf32, #tpu.memory_space<vmem_shared>>
      %dma_wait3A_45 = arith.constant 0 : i32
      %dma_wait3A_46 = tpu.memref_slice %arg6[%add3A_21, %dma_wait3A_45] : memref<10240x128xf32, #tpu.memory_space<vmem_shared>> -> memref<128x128xf32, #tpu.memory_space<vmem_shared>>
      tpu.wait_dma2 semaphore(%run_scoped3A : memref<!tpu.dma_semaphore, #tpu.memory_space<semaphore_mem>>) src(%arg7 : memref<128x128xf32, #tpu.memory_space<vmem>>) dst(%dma_wait3A_46 : memref<128x128xf32, #tpu.memory_space<vmem_shared>>)
      tpu.yield
    }) : () -> ()
    %mul3A_22 = arith.constant 640 : i32
    %mul3A_23 = arith.muli %arg1, %mul3A_22 : i32
    %add3A_24 = arith.constant 512 : i32
    %add3A_25 = arith.addi %mul3A_23, %add3A_24 : i32
    "tpu.region"() ({
      %run_scoped3A = tpu.sem_alloc : memref<!tpu.dma_semaphore, #tpu.memory_space<semaphore_mem>>
      %dma_start3A = arith.constant 0 : i32
      %dma_start3A_41 = tpu.memref_slice %arg6[%add3A_25, %dma_start3A] : memref<10240x128xf32, #tpu.memory_space<vmem_shared>> -> memref<128x128xf32, #tpu.memory_space<vmem_shared>>
      %dma_start3A_42 = arith.constant 0 : i32
      %dma_start3A_43 = tpu.memref_slice %arg6[%add3A_25, %dma_start3A_42] : memref<10240x128xf32, #tpu.memory_space<vmem_shared>> -> memref<128x128xf32, #tpu.memory_space<vmem_shared>>
      tpu.enqueue_dma source(%arg7 : memref<128x128xf32, #tpu.memory_space<vmem>>) target(%dma_start3A_43 : memref<128x128xf32, #tpu.memory_space<vmem_shared>>) target_semaphore(%run_scoped3A : memref<!tpu.dma_semaphore, #tpu.memory_space<semaphore_mem>>)
      %dma_wait3A = arith.constant 0 : i32
      %dma_wait3A_44 = tpu.memref_slice %arg6[%add3A_25, %dma_wait3A] : memref<10240x128xf32, #tpu.memory_space<vmem_shared>> -> memref<128x128xf32, #tpu.memory_space<vmem_shared>>
      %dma_wait3A_45 = arith.constant 0 : i32
      %dma_wait3A_46 = tpu.memref_slice %arg6[%add3A_25, %dma_wait3A_45] : memref<10240x128xf32, #tpu.memory_space<vmem_shared>> -> memref<128x128xf32, #tpu.memory_space<vmem_shared>>
      tpu.wait_dma2 semaphore(%run_scoped3A : memref<!tpu.dma_semaphore, #tpu.memory_space<semaphore_mem>>) src(%arg7 : memref<128x128xf32, #tpu.memory_space<vmem>>) dst(%dma_wait3A_46 : memref<128x128xf32, #tpu.memory_space<vmem_shared>>)
      tpu.yield
    }) : () -> ()
    %barrier3A = arith.constant 0 : index
    tpu.barrier barrier_id(%barrier3A)
    %mul3A_26 = arith.constant 10000 : i32
    %mul3A_27 = arith.muli %add3A, %mul3A_26 : i32
    %scan3A_28 = arith.constant 0 : i32
    %scan3A_29 = arith.constant 0 : i32
    %scan3A_30 = arith.constant 125 : i32
    %scan3A_31 = arith.addi %scan3A_29, %scan3A_30 : i32
    %scan3A_32 = arith.constant 1 : i32
    scf.for %scan3A_41 = %scan3A_29 to %scan3A_31 step %scan3A_32  : i32 {
      %mul3A_42 = arith.constant 80 : i32
      %mul3A_43 = arith.muli %scan3A_41, %mul3A_42 : i32
      %add3A_44 = arith.addi %mul3A_27, %mul3A_43 : i32
      "tpu.region"() ({
        %run_scoped3A = tpu.sem_alloc : memref<!tpu.dma_semaphore, #tpu.memory_space<semaphore_mem>>
        %dma_start3A_49 = tpu.memref_slice %arg3[%add3A_44] : memref<320000xi32, #tpu.memory_space<hbm>> -> memref<80xi32, #tpu.memory_space<hbm>>
        %dma_start3A_50 = tpu.memref_slice %arg3[%add3A_44] : memref<320000xi32, #tpu.memory_space<hbm>> -> memref<80xi32, #tpu.memory_space<hbm>>
        tpu.enqueue_dma source(%dma_start3A_50 : memref<80xi32, #tpu.memory_space<hbm>>) target(%arg8 : memref<80xi32, #tpu.memory_space<vmem>>) target_semaphore(%run_scoped3A : memref<!tpu.dma_semaphore, #tpu.memory_space<semaphore_mem>>)
        %dma_wait3A_51 = tpu.memref_slice %arg3[%add3A_44] : memref<320000xi32, #tpu.memory_space<hbm>> -> memref<80xi32, #tpu.memory_space<hbm>>
        %dma_wait3A_52 = tpu.memref_slice %arg3[%add3A_44] : memref<320000xi32, #tpu.memory_space<hbm>> -> memref<80xi32, #tpu.memory_space<hbm>>
        tpu.wait_dma2 semaphore(%run_scoped3A : memref<!tpu.dma_semaphore, #tpu.memory_space<semaphore_mem>>) src(%dma_wait3A_52 : memref<80xi32, #tpu.memory_space<hbm>>) dst(%arg8 : memref<80xi32, #tpu.memory_space<vmem>>)
        tpu.yield
      }) : () -> ()
      "tpu.region"() ({
        %run_scoped3A = tpu.sem_alloc : memref<!tpu.dma_semaphore, #tpu.memory_space<semaphore_mem>>
        %dma_start3A_49 = tpu.memref_slice %arg4[%add3A_44] : memref<320000xi32, #tpu.memory_space<hbm>> -> memref<80xi32, #tpu.memory_space<hbm>>
        %dma_start3A_50 = tpu.memref_slice %arg4[%add3A_44] : memref<320000xi32, #tpu.memory_space<hbm>> -> memref<80xi32, #tpu.memory_space<hbm>>
        tpu.enqueue_dma source(%dma_start3A_50 : memref<80xi32, #tpu.memory_space<hbm>>) target(%arg9 : memref<80xi32, #tpu.memory_space<vmem>>) target_semaphore(%run_scoped3A : memref<!tpu.dma_semaphore, #tpu.memory_space<semaphore_mem>>)
        %dma_wait3A_51 = tpu.memref_slice %arg4[%add3A_44] : memref<320000xi32, #tpu.memory_space<hbm>> -> memref<80xi32, #tpu.memory_space<hbm>>
        %dma_wait3A_52 = tpu.memref_slice %arg4[%add3A_44] : memref<320000xi32, #tpu.memory_space<hbm>> -> memref<80xi32, #tpu.memory_space<hbm>>
        tpu.wait_dma2 semaphore(%run_scoped3A : memref<!tpu.dma_semaphore, #tpu.memory_space<semaphore_mem>>) src(%dma_wait3A_52 : memref<80xi32, #tpu.memory_space<hbm>>) dst(%arg9 : memref<80xi32, #tpu.memory_space<vmem>>)
        tpu.yield
      }) : () -> ()
      %dma_start3A = arith.constant 0 : i32
      %dma_start3A_45 = arith.constant 0 : i32
      %dma_start3A_46 = tpu.memref_slice %arg2[%dma_start3A, %dma_start3A_45] : memref<10000x128xf32, #tpu.memory_space<hbm>> -> memref<10000x128xf32, #tpu.memory_space<hbm>>
      tpu.enqueue_indirect_dma source(%dma_start3A_46 : memref<10000x128xf32, #tpu.memory_space<hbm>>) target(%arg10 : memref<80x128xf32, #tpu.memory_space<vmem>>) offsets(%arg8 : memref<80xi32, #tpu.memory_space<vmem>>) semaphore(%arg11 : memref<!tpu.dma_semaphore, #tpu.memory_space<semaphore_mem>>)
      %dma_wait3A = arith.constant 0 : i32
      %dma_wait3A_47 = arith.constant 0 : i32
      %dma_wait3A_48 = tpu.memref_slice %arg2[%dma_wait3A, %dma_wait3A_47] : memref<10000x128xf32, #tpu.memory_space<hbm>> -> memref<10000x128xf32, #tpu.memory_space<hbm>>
      tpu.wait_indirect_dma semaphore(%arg11 : memref<!tpu.dma_semaphore, #tpu.memory_space<semaphore_mem>>) src(%dma_wait3A_48 : memref<10000x128xf32, #tpu.memory_space<hbm>>) dst(%arg10 : memref<80x128xf32, #tpu.memory_space<vmem>>)
      "tpu.region"() ({
        %run_scoped3A = tpu.sem_alloc : memref<!tpu.dma_semaphore, #tpu.memory_space<semaphore_mem>>
        %dma_start3A_49 = arith.constant 0 : i32
        %dma_start3A_50 = arith.constant 0 : i32
        %dma_start3A_51 = tpu.memref_slice %arg6[%dma_start3A_49, %dma_start3A_50] : memref<10240x128xf32, #tpu.memory_space<vmem_shared>> -> memref<10240x128xf32, #tpu.memory_space<vmem_shared>>
        tpu.enqueue_indirect_dma source(%arg10 : memref<80x128xf32, #tpu.memory_space<vmem>>) target(%dma_start3A_51 : memref<10240x128xf32, #tpu.memory_space<vmem_shared>>) offsets(%arg9 : memref<80xi32, #tpu.memory_space<vmem>>) semaphore(%run_scoped3A : memref<!tpu.dma_semaphore, #tpu.memory_space<semaphore_mem>>) {add = true}
        %dma_wait3A_52 = arith.constant 0 : i32
        %dma_wait3A_53 = arith.constant 0 : i32
        %dma_wait3A_54 = tpu.memref_slice %arg6[%dma_wait3A_52, %dma_wait3A_53] : memref<10240x128xf32, #tpu.memory_space<vmem_shared>> -> memref<10240x128xf32, #tpu.memory_space<vmem_shared>>
        tpu.wait_indirect_dma semaphore(%run_scoped3A : memref<!tpu.dma_semaphore, #tpu.memory_space<semaphore_mem>>) src(%arg10 : memref<80x128xf32, #tpu.memory_space<vmem>>) dst(%dma_wait3A_54 : memref<10240x128xf32, #tpu.memory_space<vmem_shared>>)
        tpu.yield
      }) : () -> ()
    }
    %scan3A_33 = arith.constant 125 : i32
    %barrier3A_34 = arith.constant 0 : index
    tpu.barrier barrier_id(%barrier3A_34)
    %mul3A_35 = arith.constant 624 : i32
    %mul3A_36 = arith.muli %arg1, %mul3A_35 : i32
    %mul3A_37 = arith.constant 624 : i32
    %mul3A_38 = arith.muli %arg1, %mul3A_37 : i32
    "tpu.region"() ({
      %run_scoped3A = tpu.sem_alloc : memref<!tpu.dma_semaphore, #tpu.memory_space<semaphore_mem>>
      %dma_start3A = arith.constant 0 : i32
      %dma_start3A_41 = tpu.memref_slice %arg5[%arg0, %mul3A_38, %dma_start3A] : memref<2x10000x128xf32, #tpu.memory_space<hbm>> -> memref<1x624x128xf32, #tpu.memory_space<hbm>>
      %dma_start3A_42 = tpu.memref_squeeze %dma_start3A_41 : memref<1x624x128xf32, #tpu.memory_space<hbm>> -> memref<624x128xf32, #tpu.memory_space<hbm>>
      %dma_start3A_43 = arith.constant 0 : i32
      %dma_start3A_44 = tpu.memref_slice %arg6[%mul3A_36, %dma_start3A_43] : memref<10240x128xf32, #tpu.memory_space<vmem_shared>> -> memref<624x128xf32, #tpu.memory_space<vmem_shared>>
      tpu.enqueue_dma source(%dma_start3A_44 : memref<624x128xf32, #tpu.memory_space<vmem_shared>>) target(%dma_start3A_42 : memref<624x128xf32, #tpu.memory_space<hbm>>) target_semaphore(%run_scoped3A : memref<!tpu.dma_semaphore, #tpu.memory_space<semaphore_mem>>)
      %dma_wait3A = arith.constant 0 : i32
      %dma_wait3A_45 = tpu.memref_slice %arg5[%arg0, %mul3A_38, %dma_wait3A] : memref<2x10000x128xf32, #tpu.memory_space<hbm>> -> memref<1x624x128xf32, #tpu.memory_space<hbm>>
      %dma_wait3A_46 = tpu.memref_squeeze %dma_wait3A_45 : memref<1x624x128xf32, #tpu.memory_space<hbm>> -> memref<624x128xf32, #tpu.memory_space<hbm>>
      %dma_wait3A_47 = arith.constant 0 : i32
      %dma_wait3A_48 = tpu.memref_slice %arg6[%mul3A_36, %dma_wait3A_47] : memref<10240x128xf32, #tpu.memory_space<vmem_shared>> -> memref<624x128xf32, #tpu.memory_space<vmem_shared>>
      tpu.wait_dma2 semaphore(%run_scoped3A : memref<!tpu.dma_semaphore, #tpu.memory_space<semaphore_mem>>) src(%dma_wait3A_48 : memref<624x128xf32, #tpu.memory_space<vmem_shared>>) dst(%dma_wait3A_46 : memref<624x128xf32, #tpu.memory_space<hbm>>)
      tpu.yield
    }) : () -> ()
    %eq3A = arith.constant 0 : i32
    %eq3A_39 = arith.cmpi eq, %arg1, %eq3A : i32
    %convert_element_type3A = arith.extui %eq3A_39 : i1 to i32
    %cond3A = arith.constant 0 : i32
    %cond3A_40 = arith.cmpi ne, %convert_element_type3A, %cond3A : i32
    scf.if %cond3A_40 {
      "tpu.region"() ({
        %run_scoped3A = tpu.sem_alloc : memref<!tpu.dma_semaphore, #tpu.memory_space<semaphore_mem>>
        %dma_start3A = arith.constant 9984 : i32
        %dma_start3A_41 = arith.constant 0 : i32
        %dma_start3A_42 = tpu.memref_slice %arg5[%arg0, %dma_start3A, %dma_start3A_41] : memref<2x10000x128xf32, #tpu.memory_space<hbm>> -> memref<1x16x128xf32, #tpu.memory_space<hbm>>
        %dma_start3A_43 = tpu.memref_squeeze %dma_start3A_42 : memref<1x16x128xf32, #tpu.memory_space<hbm>> -> memref<16x128xf32, #tpu.memory_space<hbm>>
        %dma_start3A_44 = arith.constant 9984 : i32
        %dma_start3A_45 = arith.constant 0 : i32
        %dma_start3A_46 = tpu.memref_slice %arg6[%dma_start3A_44, %dma_start3A_45] : memref<10240x128xf32, #tpu.memory_space<vmem_shared>> -> memref<16x128xf32, #tpu.memory_space<vmem_shared>>
        tpu.enqueue_dma source(%dma_start3A_46 : memref<16x128xf32, #tpu.memory_space<vmem_shared>>) target(%dma_start3A_43 : memref<16x128xf32, #tpu.memory_space<hbm>>) target_semaphore(%run_scoped3A : memref<!tpu.dma_semaphore, #tpu.memory_space<semaphore_mem>>)
        %dma_wait3A = arith.constant 9984 : i32
        %dma_wait3A_47 = arith.constant 0 : i32
        %dma_wait3A_48 = tpu.memref_slice %arg5[%arg0, %dma_wait3A, %dma_wait3A_47] : memref<2x10000x128xf32, #tpu.memory_space<hbm>> -> memref<1x16x128xf32, #tpu.memory_space<hbm>>
        %dma_wait3A_49 = tpu.memref_squeeze %dma_wait3A_48 : memref<1x16x128xf32, #tpu.memory_space<hbm>> -> memref<16x128xf32, #tpu.memory_space<hbm>>
        %dma_wait3A_50 = arith.constant 9984 : i32
        %dma_wait3A_51 = arith.constant 0 : i32
        %dma_wait3A_52 = tpu.memref_slice %arg6[%dma_wait3A_50, %dma_wait3A_51] : memref<10240x128xf32, #tpu.memory_space<vmem_shared>> -> memref<16x128xf32, #tpu.memory_space<vmem_shared>>
        tpu.wait_dma2 semaphore(%run_scoped3A : memref<!tpu.dma_semaphore, #tpu.memory_space<semaphore_mem>>) src(%dma_wait3A_52 : memref<16x128xf32, #tpu.memory_space<vmem_shared>>) dst(%dma_wait3A_49 : memref<16x128xf32, #tpu.memory_space<hbm>>)
        tpu.yield
      }) : () -> ()
    } else {
    }
    return
  }
}

#map = affine_map<(d0, d1) -> (0, 0)>
#map1 = affine_map<(d0, d1) -> (0)>
#map2 = affine_map<(d0, d1) -> (0, 0, 0)>
module attributes {stable_mosaic.version = 14 : i64} {
  func.func @_agg_body(%arg0: i32, %arg1: i32, %arg2: memref<10000x128xf32, #tpu.memory_space<hbm>>, %arg3: memref<320000xi32, #tpu.memory_space<hbm>>, %arg4: memref<320000xi32, #tpu.memory_space<hbm>>, %arg5: memref<2x10000x128xf32, #tpu.memory_space<hbm>>, %arg6: memref<10240x128xf32, #tpu.memory_space<vmem_shared>>, %arg7: memref<128x128xf32, #tpu.memory_space<vmem>>, %arg8: memref<80xi32, #tpu.memory_space<vmem>>, %arg9: memref<80xi32, #tpu.memory_space<vmem>>, %arg10: memref<80x128xf32, #tpu.memory_space<vmem>>, %arg11: memref<!tpu.dma_semaphore, #tpu.memory_space<semaphore_mem>>) attributes {dimension_semantics = [#tpu.dimension_semantics<core_parallel>, #tpu.dimension_semantics<subcore_parallel>], iteration_bounds = array<i64: 2, 16>, scalar_prefetch = 0 : i64, scratch_operands = 6 : i64, tpu.core_type = #tpu.core_type<sc_vector_subcore>, window_params = [{transform_indices = #map}, {transform_indices = #map1}, {transform_indices = #map1}, {transform_indices = #map2}]} {
    %mul3A = arith.constant 2 : i32
    %mul3A_0 = arith.muli %arg1, %mul3A : i32
    %add3A = arith.addi %mul3A_0, %arg0 : i32
    %scan3A = arith.constant 0 : i32
    %scan3A_1 = arith.constant 0 : i32
    %scan3A_2 = arith.constant 1024 : i32
    %scan3A_3 = arith.addi %scan3A_1, %scan3A_2 : i32
    %scan3A_4 = arith.constant 1 : i32
    scf.for %scan3A_41 = %scan3A_1 to %scan3A_3 step %scan3A_4  : i32 {
      %broadcast_in_dim3A = arith.constant 0.000000e+00 : f32
      %broadcast_in_dim3A_42 = vector.broadcast %broadcast_in_dim3A : f32 to vector<16xf32>
      %jit3A = arith.constant 8 : i32
      %div3A = arith.divsi %scan3A_41, %jit3A : i32
      %sign3A = arith.constant 0 : i32
      %sign3A_43 = arith.cmpi sgt, %scan3A_41, %sign3A : i32
      %sign3A_44 = arith.extui %sign3A_43 : i1 to i32
      %sign3A_45 = arith.constant 0 : i32
      %sign3A_46 = arith.cmpi slt, %scan3A_41, %sign3A_45 : i32
      %sign3A_47 = arith.extui %sign3A_46 : i1 to i32
      %sign3A_48 = arith.subi %sign3A_44, %sign3A_47 : i32
      %sign3A_49 = arith.constant 0 : i32
      %sign3A_50 = arith.cmpi sgt, %jit3A, %sign3A_49 : i32
      %sign3A_51 = arith.extui %sign3A_50 : i1 to i32
      %sign3A_52 = arith.constant 0 : i32
      %sign3A_53 = arith.cmpi slt, %jit3A, %sign3A_52 : i32
      %sign3A_54 = arith.extui %sign3A_53 : i1 to i32
      %sign3A_55 = arith.subi %sign3A_51, %sign3A_54 : i32
      %ne3A = arith.cmpi ne, %sign3A_48, %sign3A_55 : i32
      %rem3A = arith.remsi %scan3A_41, %jit3A : i32
      %ne3A_56 = arith.constant 0 : i32
      %ne3A_57 = arith.cmpi ne, %rem3A, %ne3A_56 : i32
      %and3A = arith.andi %ne3A, %ne3A_57 : i1
      %sub3A = arith.constant 1 : i32
      %sub3A_58 = arith.subi %div3A, %sub3A : i32
      %select_n3A = arith.select %and3A, %sub3A_58, %div3A : i32
      %jit3A_59 = arith.constant 8 : i32
      %eq3A_60 = arith.constant 0 : i32
      %eq3A_61 = arith.cmpi eq, %jit3A_59, %eq3A_60 : i32
      %jit3A_62 = arith.constant 1 : i32
      %select_n3A_63 = arith.select %eq3A_61, %jit3A_62, %jit3A_59 : i32
      %rem3A_64 = arith.remsi %scan3A_41, %select_n3A_63 : i32
      %ne3A_65 = arith.constant 0 : i32
      %ne3A_66 = arith.cmpi ne, %rem3A_64, %ne3A_65 : i32
      %lt3A = arith.constant 0 : i32
      %lt3A_67 = arith.cmpi slt, %rem3A_64, %lt3A : i32
      %lt3A_68 = arith.constant 0 : i32
      %lt3A_69 = arith.cmpi slt, %select_n3A_63, %lt3A_68 : i32
      %ne3A_70 = arith.xori %lt3A_67, %lt3A_69 : i1
      %and3A_71 = arith.andi %ne3A_70, %ne3A_66 : i1
      %add3A_72 = arith.addi %rem3A_64, %select_n3A_63 : i32
      %select_n3A_73 = arith.select %and3A_71, %add3A_72, %rem3A_64 : i32
      %mul3A_74 = arith.constant 16 : i32
      %mul3A_75 = arith.muli %select_n3A_73, %mul3A_74 : i32
      %swap3A = arith.index_cast %select_n3A : i32 to index
      %swap3A_76 = arith.index_cast %mul3A_75 : i32 to index
      %swap3A_77 = tpu.vector_load %arg7[%swap3A, %swap3A_76] {strides = array<i32>} : memref<128x128xf32, #tpu.memory_space<vmem>>, vector<1x16xf32>,
      %swap3A_78 = vector.shape_cast %swap3A_77 : vector<1x16xf32> to vector<16xf32>
      %swap3A_79 = vector.shape_cast %broadcast_in_dim3A_42 : vector<16xf32> to vector<1x16xf32>
      tpu.vector_store %arg7[%swap3A, %swap3A_76], %swap3A_79 {strides = array<i32>} : memref<128x128xf32, #tpu.memory_space<vmem>>, vector<1x16xf32>,
    }
    %scan3A_5 = arith.constant 1024 : i32
    %mul3A_6 = arith.constant 640 : i32
    %mul3A_7 = arith.muli %arg1, %mul3A_6 : i32
    %add3A_8 = arith.constant 0 : i32
    %add3A_9 = arith.addi %mul3A_7, %add3A_8 : i32
    "tpu.region"() ({
      %run_scoped3A = tpu.sem_alloc : memref<!tpu.dma_semaphore, #tpu.memory_space<semaphore_mem>>
      %dma_start3A = arith.constant 0 : i32
      %dma_start3A_41 = tpu.memref_slice %arg6[%add3A_9, %dma_start3A] : memref<10240x128xf32, #tpu.memory_space<vmem_shared>> -> memref<128x128xf32, #tpu.memory_space<vmem_shared>>
      %dma_start3A_42 = arith.constant 0 : i32
      %dma_start3A_43 = tpu.memref_slice %arg6[%add3A_9, %dma_start3A_42] : memref<10240x128xf32, #tpu.memory_space<vmem_shared>> -> memref<128x128xf32, #tpu.memory_space<vmem_shared>>
      tpu.enqueue_dma source(%arg7 : memref<128x128xf32, #tpu.memory_space<vmem>>) target(%dma_start3A_43 : memref<128x128xf32, #tpu.memory_space<vmem_shared>>) target_semaphore(%run_scoped3A : memref<!tpu.dma_semaphore, #tpu.memory_space<semaphore_mem>>)
      %dma_wait3A = arith.constant 0 : i32
      %dma_wait3A_44 = tpu.memref_slice %arg6[%add3A_9, %dma_wait3A] : memref<10240x128xf32, #tpu.memory_space<vmem_shared>> -> memref<128x128xf32, #tpu.memory_space<vmem_shared>>
      %dma_wait3A_45 = arith.constant 0 : i32
      %dma_wait3A_46 = tpu.memref_slice %arg6[%add3A_9, %dma_wait3A_45] : memref<10240x128xf32, #tpu.memory_space<vmem_shared>> -> memref<128x128xf32, #tpu.memory_space<vmem_shared>>
      tpu.wait_dma2 semaphore(%run_scoped3A : memref<!tpu.dma_semaphore, #tpu.memory_space<semaphore_mem>>) src(%arg7 : memref<128x128xf32, #tpu.memory_space<vmem>>) dst(%dma_wait3A_46 : memref<128x128xf32, #tpu.memory_space<vmem_shared>>)
      tpu.yield
    }) : () -> ()
    %mul3A_10 = arith.constant 640 : i32
    %mul3A_11 = arith.muli %arg1, %mul3A_10 : i32
    %add3A_12 = arith.constant 128 : i32
    %add3A_13 = arith.addi %mul3A_11, %add3A_12 : i32
    "tpu.region"() ({
      %run_scoped3A = tpu.sem_alloc : memref<!tpu.dma_semaphore, #tpu.memory_space<semaphore_mem>>
      %dma_start3A = arith.constant 0 : i32
      %dma_start3A_41 = tpu.memref_slice %arg6[%add3A_13, %dma_start3A] : memref<10240x128xf32, #tpu.memory_space<vmem_shared>> -> memref<128x128xf32, #tpu.memory_space<vmem_shared>>
      %dma_start3A_42 = arith.constant 0 : i32
      %dma_start3A_43 = tpu.memref_slice %arg6[%add3A_13, %dma_start3A_42] : memref<10240x128xf32, #tpu.memory_space<vmem_shared>> -> memref<128x128xf32, #tpu.memory_space<vmem_shared>>
      tpu.enqueue_dma source(%arg7 : memref<128x128xf32, #tpu.memory_space<vmem>>) target(%dma_start3A_43 : memref<128x128xf32, #tpu.memory_space<vmem_shared>>) target_semaphore(%run_scoped3A : memref<!tpu.dma_semaphore, #tpu.memory_space<semaphore_mem>>)
      %dma_wait3A = arith.constant 0 : i32
      %dma_wait3A_44 = tpu.memref_slice %arg6[%add3A_13, %dma_wait3A] : memref<10240x128xf32, #tpu.memory_space<vmem_shared>> -> memref<128x128xf32, #tpu.memory_space<vmem_shared>>
      %dma_wait3A_45 = arith.constant 0 : i32
      %dma_wait3A_46 = tpu.memref_slice %arg6[%add3A_13, %dma_wait3A_45] : memref<10240x128xf32, #tpu.memory_space<vmem_shared>> -> memref<128x128xf32, #tpu.memory_space<vmem_shared>>
      tpu.wait_dma2 semaphore(%run_scoped3A : memref<!tpu.dma_semaphore, #tpu.memory_space<semaphore_mem>>) src(%arg7 : memref<128x128xf32, #tpu.memory_space<vmem>>) dst(%dma_wait3A_46 : memref<128x128xf32, #tpu.memory_space<vmem_shared>>)
      tpu.yield
    }) : () -> ()
    %mul3A_14 = arith.constant 640 : i32
    %mul3A_15 = arith.muli %arg1, %mul3A_14 : i32
    %add3A_16 = arith.constant 256 : i32
    %add3A_17 = arith.addi %mul3A_15, %add3A_16 : i32
    "tpu.region"() ({
      %run_scoped3A = tpu.sem_alloc : memref<!tpu.dma_semaphore, #tpu.memory_space<semaphore_mem>>
      %dma_start3A = arith.constant 0 : i32
      %dma_start3A_41 = tpu.memref_slice %arg6[%add3A_17, %dma_start3A] : memref<10240x128xf32, #tpu.memory_space<vmem_shared>> -> memref<128x128xf32, #tpu.memory_space<vmem_shared>>
      %dma_start3A_42 = arith.constant 0 : i32
      %dma_start3A_43 = tpu.memref_slice %arg6[%add3A_17, %dma_start3A_42] : memref<10240x128xf32, #tpu.memory_space<vmem_shared>> -> memref<128x128xf32, #tpu.memory_space<vmem_shared>>
      tpu.enqueue_dma source(%arg7 : memref<128x128xf32, #tpu.memory_space<vmem>>) target(%dma_start3A_43 : memref<128x128xf32, #tpu.memory_space<vmem_shared>>) target_semaphore(%run_scoped3A : memref<!tpu.dma_semaphore, #tpu.memory_space<semaphore_mem>>)
      %dma_wait3A = arith.constant 0 : i32
      %dma_wait3A_44 = tpu.memref_slice %arg6[%add3A_17, %dma_wait3A] : memref<10240x128xf32, #tpu.memory_space<vmem_shared>> -> memref<128x128xf32, #tpu.memory_space<vmem_shared>>
      %dma_wait3A_45 = arith.constant 0 : i32
      %dma_wait3A_46 = tpu.memref_slice %arg6[%add3A_17, %dma_wait3A_45] : memref<10240x128xf32, #tpu.memory_space<vmem_shared>> -> memref<128x128xf32, #tpu.memory_space<vmem_shared>>
      tpu.wait_dma2 semaphore(%run_scoped3A : memref<!tpu.dma_semaphore, #tpu.memory_space<semaphore_mem>>) src(%arg7 : memref<128x128xf32, #tpu.memory_space<vmem>>) dst(%dma_wait3A_46 : memref<128x128xf32, #tpu.memory_space<vmem_shared>>)
      tpu.yield
    }) : () -> ()
    %mul3A_18 = arith.constant 640 : i32
    %mul3A_19 = arith.muli %arg1, %mul3A_18 : i32
    %add3A_20 = arith.constant 384 : i32
    %add3A_21 = arith.addi %mul3A_19, %add3A_20 : i32
    "tpu.region"() ({
      %run_scoped3A = tpu.sem_alloc : memref<!tpu.dma_semaphore, #tpu.memory_space<semaphore_mem>>
      %dma_start3A = arith.constant 0 : i32
      %dma_start3A_41 = tpu.memref_slice %arg6[%add3A_21, %dma_start3A] : memref<10240x128xf32, #tpu.memory_space<vmem_shared>> -> memref<128x128xf32, #tpu.memory_space<vmem_shared>>
      %dma_start3A_42 = arith.constant 0 : i32
      %dma_start3A_43 = tpu.memref_slice %arg6[%add3A_21, %dma_start3A_42] : memref<10240x128xf32, #tpu.memory_space<vmem_shared>> -> memref<128x128xf32, #tpu.memory_space<vmem_shared>>
      tpu.enqueue_dma source(%arg7 : memref<128x128xf32, #tpu.memory_space<vmem>>) target(%dma_start3A_43 : memref<128x128xf32, #tpu.memory_space<vmem_shared>>) target_semaphore(%run_scoped3A : memref<!tpu.dma_semaphore, #tpu.memory_space<semaphore_mem>>)
      %dma_wait3A = arith.constant 0 : i32
      %dma_wait3A_44 = tpu.memref_slice %arg6[%add3A_21, %dma_wait3A] : memref<10240x128xf32, #tpu.memory_space<vmem_shared>> -> memref<128x128xf32, #tpu.memory_space<vmem_shared>>
      %dma_wait3A_45 = arith.constant 0 : i32
      %dma_wait3A_46 = tpu.memref_slice %arg6[%add3A_21, %dma_wait3A_45] : memref<10240x128xf32, #tpu.memory_space<vmem_shared>> -> memref<128x128xf32, #tpu.memory_space<vmem_shared>>
      tpu.wait_dma2 semaphore(%run_scoped3A : memref<!tpu.dma_semaphore, #tpu.memory_space<semaphore_mem>>) src(%arg7 : memref<128x128xf32, #tpu.memory_space<vmem>>) dst(%dma_wait3A_46 : memref<128x128xf32, #tpu.memory_space<vmem_shared>>)
      tpu.yield
    }) : () -> ()
    %mul3A_22 = arith.constant 640 : i32
    %mul3A_23 = arith.muli %arg1, %mul3A_22 : i32
    %add3A_24 = arith.constant 512 : i32
    %add3A_25 = arith.addi %mul3A_23, %add3A_24 : i32
    "tpu.region"() ({
      %run_scoped3A = tpu.sem_alloc : memref<!tpu.dma_semaphore, #tpu.memory_space<semaphore_mem>>
      %dma_start3A = arith.constant 0 : i32
      %dma_start3A_41 = tpu.memref_slice %arg6[%add3A_25, %dma_start3A] : memref<10240x128xf32, #tpu.memory_space<vmem_shared>> -> memref<128x128xf32, #tpu.memory_space<vmem_shared>>
      %dma_start3A_42 = arith.constant 0 : i32
      %dma_start3A_43 = tpu.memref_slice %arg6[%add3A_25, %dma_start3A_42] : memref<10240x128xf32, #tpu.memory_space<vmem_shared>> -> memref<128x128xf32, #tpu.memory_space<vmem_shared>>
      tpu.enqueue_dma source(%arg7 : memref<128x128xf32, #tpu.memory_space<vmem>>) target(%dma_start3A_43 : memref<128x128xf32, #tpu.memory_space<vmem_shared>>) target_semaphore(%run_scoped3A : memref<!tpu.dma_semaphore, #tpu.memory_space<semaphore_mem>>)
      %dma_wait3A = arith.constant 0 : i32
      %dma_wait3A_44 = tpu.memref_slice %arg6[%add3A_25, %dma_wait3A] : memref<10240x128xf32, #tpu.memory_space<vmem_shared>> -> memref<128x128xf32, #tpu.memory_space<vmem_shared>>
      %dma_wait3A_45 = arith.constant 0 : i32
      %dma_wait3A_46 = tpu.memref_slice %arg6[%add3A_25, %dma_wait3A_45] : memref<10240x128xf32, #tpu.memory_space<vmem_shared>> -> memref<128x128xf32, #tpu.memory_space<vmem_shared>>
      tpu.wait_dma2 semaphore(%run_scoped3A : memref<!tpu.dma_semaphore, #tpu.memory_space<semaphore_mem>>) src(%arg7 : memref<128x128xf32, #tpu.memory_space<vmem>>) dst(%dma_wait3A_46 : memref<128x128xf32, #tpu.memory_space<vmem_shared>>)
      tpu.yield
    }) : () -> ()
    %barrier3A = arith.constant 0 : index
    tpu.barrier barrier_id(%barrier3A)
    %mul3A_26 = arith.constant 10000 : i32
    %mul3A_27 = arith.muli %add3A, %mul3A_26 : i32
    %scan3A_28 = arith.constant 0 : i32
    %scan3A_29 = arith.constant 0 : i32
    %scan3A_30 = arith.constant 125 : i32
    %scan3A_31 = arith.addi %scan3A_29, %scan3A_30 : i32
    %scan3A_32 = arith.constant 1 : i32
    scf.for %scan3A_41 = %scan3A_29 to %scan3A_31 step %scan3A_32  : i32 {
      %mul3A_42 = arith.constant 80 : i32
      %mul3A_43 = arith.muli %scan3A_41, %mul3A_42 : i32
      %add3A_44 = arith.addi %mul3A_27, %mul3A_43 : i32
      "tpu.region"() ({
        %run_scoped3A = tpu.sem_alloc : memref<!tpu.dma_semaphore, #tpu.memory_space<semaphore_mem>>
        %dma_start3A_49 = tpu.memref_slice %arg3[%add3A_44] : memref<320000xi32, #tpu.memory_space<hbm>> -> memref<80xi32, #tpu.memory_space<hbm>>
        %dma_start3A_50 = tpu.memref_slice %arg3[%add3A_44] : memref<320000xi32, #tpu.memory_space<hbm>> -> memref<80xi32, #tpu.memory_space<hbm>>
        tpu.enqueue_dma source(%dma_start3A_50 : memref<80xi32, #tpu.memory_space<hbm>>) target(%arg8 : memref<80xi32, #tpu.memory_space<vmem>>) target_semaphore(%run_scoped3A : memref<!tpu.dma_semaphore, #tpu.memory_space<semaphore_mem>>)
        %dma_wait3A_51 = tpu.memref_slice %arg3[%add3A_44] : memref<320000xi32, #tpu.memory_space<hbm>> -> memref<80xi32, #tpu.memory_space<hbm>>
        %dma_wait3A_52 = tpu.memref_slice %arg3[%add3A_44] : memref<320000xi32, #tpu.memory_space<hbm>> -> memref<80xi32, #tpu.memory_space<hbm>>
        tpu.wait_dma2 semaphore(%run_scoped3A : memref<!tpu.dma_semaphore, #tpu.memory_space<semaphore_mem>>) src(%dma_wait3A_52 : memref<80xi32, #tpu.memory_space<hbm>>) dst(%arg8 : memref<80xi32, #tpu.memory_space<vmem>>)
        tpu.yield
      }) : () -> ()
      "tpu.region"() ({
        %run_scoped3A = tpu.sem_alloc : memref<!tpu.dma_semaphore, #tpu.memory_space<semaphore_mem>>
        %dma_start3A_49 = tpu.memref_slice %arg4[%add3A_44] : memref<320000xi32, #tpu.memory_space<hbm>> -> memref<80xi32, #tpu.memory_space<hbm>>
        %dma_start3A_50 = tpu.memref_slice %arg4[%add3A_44] : memref<320000xi32, #tpu.memory_space<hbm>> -> memref<80xi32, #tpu.memory_space<hbm>>
        tpu.enqueue_dma source(%dma_start3A_50 : memref<80xi32, #tpu.memory_space<hbm>>) target(%arg9 : memref<80xi32, #tpu.memory_space<vmem>>) target_semaphore(%run_scoped3A : memref<!tpu.dma_semaphore, #tpu.memory_space<semaphore_mem>>)
        %dma_wait3A_51 = tpu.memref_slice %arg4[%add3A_44] : memref<320000xi32, #tpu.memory_space<hbm>> -> memref<80xi32, #tpu.memory_space<hbm>>
        %dma_wait3A_52 = tpu.memref_slice %arg4[%add3A_44] : memref<320000xi32, #tpu.memory_space<hbm>> -> memref<80xi32, #tpu.memory_space<hbm>>
        tpu.wait_dma2 semaphore(%run_scoped3A : memref<!tpu.dma_semaphore, #tpu.memory_space<semaphore_mem>>) src(%dma_wait3A_52 : memref<80xi32, #tpu.memory_space<hbm>>) dst(%arg9 : memref<80xi32, #tpu.memory_space<vmem>>)
        tpu.yield
      }) : () -> ()
      %dma_start3A = arith.constant 0 : i32
      %dma_start3A_45 = arith.constant 0 : i32
      %dma_start3A_46 = tpu.memref_slice %arg2[%dma_start3A, %dma_start3A_45] : memref<10000x128xf32, #tpu.memory_space<hbm>> -> memref<10000x128xf32, #tpu.memory_space<hbm>>
      tpu.enqueue_indirect_dma source(%dma_start3A_46 : memref<10000x128xf32, #tpu.memory_space<hbm>>) target(%arg10 : memref<80x128xf32, #tpu.memory_space<vmem>>) offsets(%arg8 : memref<80xi32, #tpu.memory_space<vmem>>) semaphore(%arg11 : memref<!tpu.dma_semaphore, #tpu.memory_space<semaphore_mem>>)
      %dma_wait3A = arith.constant 0 : i32
      %dma_wait3A_47 = arith.constant 0 : i32
      %dma_wait3A_48 = tpu.memref_slice %arg2[%dma_wait3A, %dma_wait3A_47] : memref<10000x128xf32, #tpu.memory_space<hbm>> -> memref<10000x128xf32, #tpu.memory_space<hbm>>
      tpu.wait_indirect_dma semaphore(%arg11 : memref<!tpu.dma_semaphore, #tpu.memory_space<semaphore_mem>>) src(%dma_wait3A_48 : memref<10000x128xf32, #tpu.memory_space<hbm>>) dst(%arg10 : memref<80x128xf32, #tpu.memory_space<vmem>>)
      "tpu.region"() ({
        %run_scoped3A = tpu.sem_alloc : memref<!tpu.dma_semaphore, #tpu.memory_space<semaphore_mem>>
        %dma_start3A_49 = arith.constant 0 : i32
        %dma_start3A_50 = arith.constant 0 : i32
        %dma_start3A_51 = tpu.memref_slice %arg6[%dma_start3A_49, %dma_start3A_50] : memref<10240x128xf32, #tpu.memory_space<vmem_shared>> -> memref<10240x128xf32, #tpu.memory_space<vmem_shared>>
        tpu.enqueue_indirect_dma source(%arg10 : memref<80x128xf32, #tpu.memory_space<vmem>>) target(%dma_start3A_51 : memref<10240x128xf32, #tpu.memory_space<vmem_shared>>) offsets(%arg9 : memref<80xi32, #tpu.memory_space<vmem>>) semaphore(%run_scoped3A : memref<!tpu.dma_semaphore, #tpu.memory_space<semaphore_mem>>) {add = true}
        %dma_wait3A_52 = arith.constant 0 : i32
        %dma_wait3A_53 = arith.constant 0 : i32
        %dma_wait3A_54 = tpu.memref_slice %arg6[%dma_wait3A_52, %dma_wait3A_53] : memref<10240x128xf32, #tpu.memory_space<vmem_shared>> -> memref<10240x128xf32, #tpu.memory_space<vmem_shared>>
        tpu.wait_indirect_dma semaphore(%run_scoped3A : memref<!tpu.dma_semaphore, #tpu.memory_space<semaphore_mem>>) src(%arg10 : memref<80x128xf32, #tpu.memory_space<vmem>>) dst(%dma_wait3A_54 : memref<10240x128xf32, #tpu.memory_space<vmem_shared>>)
        tpu.yield
      }) : () -> ()
    }
    %scan3A_33 = arith.constant 125 : i32
    %barrier3A_34 = arith.constant 0 : index
    tpu.barrier barrier_id(%barrier3A_34)
    %mul3A_35 = arith.constant 624 : i32
    %mul3A_36 = arith.muli %arg1, %mul3A_35 : i32
    %mul3A_37 = arith.constant 624 : i32
    %mul3A_38 = arith.muli %arg1, %mul3A_37 : i32
    "tpu.region"() ({
      %run_scoped3A = tpu.sem_alloc : memref<!tpu.dma_semaphore, #tpu.memory_space<semaphore_mem>>
      %dma_start3A = arith.constant 0 : i32
      %dma_start3A_41 = tpu.memref_slice %arg5[%arg0, %mul3A_38, %dma_start3A] : memref<2x10000x128xf32, #tpu.memory_space<hbm>> -> memref<1x624x128xf32, #tpu.memory_space<hbm>>
      %dma_start3A_42 = tpu.memref_squeeze %dma_start3A_41 : memref<1x624x128xf32, #tpu.memory_space<hbm>> -> memref<624x128xf32, #tpu.memory_space<hbm>>
      %dma_start3A_43 = arith.constant 0 : i32
      %dma_start3A_44 = tpu.memref_slice %arg6[%mul3A_36, %dma_start3A_43] : memref<10240x128xf32, #tpu.memory_space<vmem_shared>> -> memref<624x128xf32, #tpu.memory_space<vmem_shared>>
      tpu.enqueue_dma source(%dma_start3A_44 : memref<624x128xf32, #tpu.memory_space<vmem_shared>>) target(%dma_start3A_42 : memref<624x128xf32, #tpu.memory_space<hbm>>) target_semaphore(%run_scoped3A : memref<!tpu.dma_semaphore, #tpu.memory_space<semaphore_mem>>)
      %dma_wait3A = arith.constant 0 : i32
      %dma_wait3A_45 = tpu.memref_slice %arg5[%arg0, %mul3A_38, %dma_wait3A] : memref<2x10000x128xf32, #tpu.memory_space<hbm>> -> memref<1x624x128xf32, #tpu.memory_space<hbm>>
      %dma_wait3A_46 = tpu.memref_squeeze %dma_wait3A_45 : memref<1x624x128xf32, #tpu.memory_space<hbm>> -> memref<624x128xf32, #tpu.memory_space<hbm>>
      %dma_wait3A_47 = arith.constant 0 : i32
      %dma_wait3A_48 = tpu.memref_slice %arg6[%mul3A_36, %dma_wait3A_47] : memref<10240x128xf32, #tpu.memory_space<vmem_shared>> -> memref<624x128xf32, #tpu.memory_space<vmem_shared>>
      tpu.wait_dma2 semaphore(%run_scoped3A : memref<!tpu.dma_semaphore, #tpu.memory_space<semaphore_mem>>) src(%dma_wait3A_48 : memref<624x128xf32, #tpu.memory_space<vmem_shared>>) dst(%dma_wait3A_46 : memref<624x128xf32, #tpu.memory_space<hbm>>)
      tpu.yield
    }) : () -> ()
    %eq3A = arith.constant 0 : i32
    %eq3A_39 = arith.cmpi eq, %arg1, %eq3A : i32
    %convert_element_type3A = arith.extui %eq3A_39 : i1 to i32
    %cond3A = arith.constant 0 : i32
    %cond3A_40 = arith.cmpi ne, %convert_element_type3A, %cond3A : i32
    scf.if %cond3A_40 {
      "tpu.region"() ({
        %run_scoped3A = tpu.sem_alloc : memref<!tpu.dma_semaphore, #tpu.memory_space<semaphore_mem>>
        %dma_start3A = arith.constant 9984 : i32
        %dma_start3A_41 = arith.constant 0 : i32
        %dma_start3A_42 = tpu.memref_slice %arg5[%arg0, %dma_start3A, %dma_start3A_41] : memref<2x10000x128xf32, #tpu.memory_space<hbm>> -> memref<1x16x128xf32, #tpu.memory_space<hbm>>
        %dma_start3A_43 = tpu.memref_squeeze %dma_start3A_42 : memref<1x16x128xf32, #tpu.memory_space<hbm>> -> memref<16x128xf32, #tpu.memory_space<hbm>>
        %dma_start3A_44 = arith.constant 9984 : i32
        %dma_start3A_45 = arith.constant 0 : i32
        %dma_start3A_46 = tpu.memref_slice %arg6[%dma_start3A_44, %dma_start3A_45] : memref<10240x128xf32, #tpu.memory_space<vmem_shared>> -> memref<16x128xf32, #tpu.memory_space<vmem_shared>>
        tpu.enqueue_dma source(%dma_start3A_46 : memref<16x128xf32, #tpu.memory_space<vmem_shared>>) target(%dma_start3A_43 : memref<16x128xf32, #tpu.memory_space<hbm>>) target_semaphore(%run_scoped3A : memref<!tpu.dma_semaphore, #tpu.memory_space<semaphore_mem>>)
        %dma_wait3A = arith.constant 9984 : i32
        %dma_wait3A_47 = arith.constant 0 : i32
        %dma_wait3A_48 = tpu.memref_slice %arg5[%arg0, %dma_wait3A, %dma_wait3A_47] : memref<2x10000x128xf32, #tpu.memory_space<hbm>> -> memref<1x16x128xf32, #tpu.memory_space<hbm>>
        %dma_wait3A_49 = tpu.memref_squeeze %dma_wait3A_48 : memref<1x16x128xf32, #tpu.memory_space<hbm>> -> memref<16x128xf32, #tpu.memory_space<hbm>>
        %dma_wait3A_50 = arith.constant 9984 : i32
        %dma_wait3A_51 = arith.constant 0 : i32
        %dma_wait3A_52 = tpu.memref_slice %arg6[%dma_wait3A_50, %dma_wait3A_51] : memref<10240x128xf32, #tpu.memory_space<vmem_shared>> -> memref<16x128xf32, #tpu.memory_space<vmem_shared>>
        tpu.wait_dma2 semaphore(%run_scoped3A : memref<!tpu.dma_semaphore, #tpu.memory_space<semaphore_mem>>) src(%dma_wait3A_52 : memref<16x128xf32, #tpu.memory_space<vmem_shared>>) dst(%dma_wait3A_49 : memref<16x128xf32, #tpu.memory_space<hbm>>)
        tpu.yield
      }) : () -> ()
    } else {
    }
    return
  }
}

#map = affine_map<(d0, d1) -> (0, 0)>
#map1 = affine_map<(d0, d1) -> (0)>
#map2 = affine_map<(d0, d1) -> (0, 0, 0)>
module attributes {stable_mosaic.version = 14 : i64} {
  func.func @_agg_body(%arg0: i32, %arg1: i32, %arg2: memref<10000x128xf32, #tpu.memory_space<hbm>>, %arg3: memref<320000xi32, #tpu.memory_space<hbm>>, %arg4: memref<320000xi32, #tpu.memory_space<hbm>>, %arg5: memref<2x10000x128xf32, #tpu.memory_space<hbm>>, %arg6: memref<10240x128xf32, #tpu.memory_space<vmem_shared>>, %arg7: memref<128x128xf32, #tpu.memory_space<vmem>>, %arg8: memref<80xi32, #tpu.memory_space<vmem>>, %arg9: memref<80xi32, #tpu.memory_space<vmem>>, %arg10: memref<80x128xf32, #tpu.memory_space<vmem>>, %arg11: memref<!tpu.dma_semaphore, #tpu.memory_space<semaphore_mem>>) attributes {dimension_semantics = [#tpu.dimension_semantics<core_parallel>, #tpu.dimension_semantics<subcore_parallel>], iteration_bounds = array<i64: 2, 16>, scalar_prefetch = 0 : i64, scratch_operands = 6 : i64, tpu.core_type = #tpu.core_type<sc_vector_subcore>, window_params = [{transform_indices = #map}, {transform_indices = #map1}, {transform_indices = #map1}, {transform_indices = #map2}]} {
    %mul3A = arith.constant 2 : i32
    %mul3A_0 = arith.muli %arg1, %mul3A : i32
    %add3A = arith.addi %mul3A_0, %arg0 : i32
    %scan3A = arith.constant 0 : i32
    %scan3A_1 = arith.constant 0 : i32
    %scan3A_2 = arith.constant 1024 : i32
    %scan3A_3 = arith.addi %scan3A_1, %scan3A_2 : i32
    %scan3A_4 = arith.constant 1 : i32
    scf.for %scan3A_41 = %scan3A_1 to %scan3A_3 step %scan3A_4  : i32 {
      %broadcast_in_dim3A = arith.constant 0.000000e+00 : f32
      %broadcast_in_dim3A_42 = vector.broadcast %broadcast_in_dim3A : f32 to vector<16xf32>
      %jit3A = arith.constant 8 : i32
      %div3A = arith.divsi %scan3A_41, %jit3A : i32
      %sign3A = arith.constant 0 : i32
      %sign3A_43 = arith.cmpi sgt, %scan3A_41, %sign3A : i32
      %sign3A_44 = arith.extui %sign3A_43 : i1 to i32
      %sign3A_45 = arith.constant 0 : i32
      %sign3A_46 = arith.cmpi slt, %scan3A_41, %sign3A_45 : i32
      %sign3A_47 = arith.extui %sign3A_46 : i1 to i32
      %sign3A_48 = arith.subi %sign3A_44, %sign3A_47 : i32
      %sign3A_49 = arith.constant 0 : i32
      %sign3A_50 = arith.cmpi sgt, %jit3A, %sign3A_49 : i32
      %sign3A_51 = arith.extui %sign3A_50 : i1 to i32
      %sign3A_52 = arith.constant 0 : i32
      %sign3A_53 = arith.cmpi slt, %jit3A, %sign3A_52 : i32
      %sign3A_54 = arith.extui %sign3A_53 : i1 to i32
      %sign3A_55 = arith.subi %sign3A_51, %sign3A_54 : i32
      %ne3A = arith.cmpi ne, %sign3A_48, %sign3A_55 : i32
      %rem3A = arith.remsi %scan3A_41, %jit3A : i32
      %ne3A_56 = arith.constant 0 : i32
      %ne3A_57 = arith.cmpi ne, %rem3A, %ne3A_56 : i32
      %and3A = arith.andi %ne3A, %ne3A_57 : i1
      %sub3A = arith.constant 1 : i32
      %sub3A_58 = arith.subi %div3A, %sub3A : i32
      %select_n3A = arith.select %and3A, %sub3A_58, %div3A : i32
      %jit3A_59 = arith.constant 8 : i32
      %eq3A_60 = arith.constant 0 : i32
      %eq3A_61 = arith.cmpi eq, %jit3A_59, %eq3A_60 : i32
      %jit3A_62 = arith.constant 1 : i32
      %select_n3A_63 = arith.select %eq3A_61, %jit3A_62, %jit3A_59 : i32
      %rem3A_64 = arith.remsi %scan3A_41, %select_n3A_63 : i32
      %ne3A_65 = arith.constant 0 : i32
      %ne3A_66 = arith.cmpi ne, %rem3A_64, %ne3A_65 : i32
      %lt3A = arith.constant 0 : i32
      %lt3A_67 = arith.cmpi slt, %rem3A_64, %lt3A : i32
      %lt3A_68 = arith.constant 0 : i32
      %lt3A_69 = arith.cmpi slt, %select_n3A_63, %lt3A_68 : i32
      %ne3A_70 = arith.xori %lt3A_67, %lt3A_69 : i1
      %and3A_71 = arith.andi %ne3A_70, %ne3A_66 : i1
      %add3A_72 = arith.addi %rem3A_64, %select_n3A_63 : i32
      %select_n3A_73 = arith.select %and3A_71, %add3A_72, %rem3A_64 : i32
      %mul3A_74 = arith.constant 16 : i32
      %mul3A_75 = arith.muli %select_n3A_73, %mul3A_74 : i32
      %swap3A = arith.index_cast %select_n3A : i32 to index
      %swap3A_76 = arith.index_cast %mul3A_75 : i32 to index
      %swap3A_77 = tpu.vector_load %arg7[%swap3A, %swap3A_76] {strides = array<i32>} : memref<128x128xf32, #tpu.memory_space<vmem>>, vector<1x16xf32>,
      %swap3A_78 = vector.shape_cast %swap3A_77 : vector<1x16xf32> to vector<16xf32>
      %swap3A_79 = vector.shape_cast %broadcast_in_dim3A_42 : vector<16xf32> to vector<1x16xf32>
      tpu.vector_store %arg7[%swap3A, %swap3A_76], %swap3A_79 {strides = array<i32>} : memref<128x128xf32, #tpu.memory_space<vmem>>, vector<1x16xf32>,
    }
    %scan3A_5 = arith.constant 1024 : i32
    %mul3A_6 = arith.constant 640 : i32
    %mul3A_7 = arith.muli %arg1, %mul3A_6 : i32
    %add3A_8 = arith.constant 0 : i32
    %add3A_9 = arith.addi %mul3A_7, %add3A_8 : i32
    "tpu.region"() ({
      %run_scoped3A = tpu.sem_alloc : memref<!tpu.dma_semaphore, #tpu.memory_space<semaphore_mem>>
      %dma_start3A = arith.constant 0 : i32
      %dma_start3A_41 = tpu.memref_slice %arg6[%add3A_9, %dma_start3A] : memref<10240x128xf32, #tpu.memory_space<vmem_shared>> -> memref<128x128xf32, #tpu.memory_space<vmem_shared>>
      %dma_start3A_42 = arith.constant 0 : i32
      %dma_start3A_43 = tpu.memref_slice %arg6[%add3A_9, %dma_start3A_42] : memref<10240x128xf32, #tpu.memory_space<vmem_shared>> -> memref<128x128xf32, #tpu.memory_space<vmem_shared>>
      tpu.enqueue_dma source(%arg7 : memref<128x128xf32, #tpu.memory_space<vmem>>) target(%dma_start3A_43 : memref<128x128xf32, #tpu.memory_space<vmem_shared>>) target_semaphore(%run_scoped3A : memref<!tpu.dma_semaphore, #tpu.memory_space<semaphore_mem>>)
      %dma_wait3A = arith.constant 0 : i32
      %dma_wait3A_44 = tpu.memref_slice %arg6[%add3A_9, %dma_wait3A] : memref<10240x128xf32, #tpu.memory_space<vmem_shared>> -> memref<128x128xf32, #tpu.memory_space<vmem_shared>>
      %dma_wait3A_45 = arith.constant 0 : i32
      %dma_wait3A_46 = tpu.memref_slice %arg6[%add3A_9, %dma_wait3A_45] : memref<10240x128xf32, #tpu.memory_space<vmem_shared>> -> memref<128x128xf32, #tpu.memory_space<vmem_shared>>
      tpu.wait_dma2 semaphore(%run_scoped3A : memref<!tpu.dma_semaphore, #tpu.memory_space<semaphore_mem>>) src(%arg7 : memref<128x128xf32, #tpu.memory_space<vmem>>) dst(%dma_wait3A_46 : memref<128x128xf32, #tpu.memory_space<vmem_shared>>)
      tpu.yield
    }) : () -> ()
    %mul3A_10 = arith.constant 640 : i32
    %mul3A_11 = arith.muli %arg1, %mul3A_10 : i32
    %add3A_12 = arith.constant 128 : i32
    %add3A_13 = arith.addi %mul3A_11, %add3A_12 : i32
    "tpu.region"() ({
      %run_scoped3A = tpu.sem_alloc : memref<!tpu.dma_semaphore, #tpu.memory_space<semaphore_mem>>
      %dma_start3A = arith.constant 0 : i32
      %dma_start3A_41 = tpu.memref_slice %arg6[%add3A_13, %dma_start3A] : memref<10240x128xf32, #tpu.memory_space<vmem_shared>> -> memref<128x128xf32, #tpu.memory_space<vmem_shared>>
      %dma_start3A_42 = arith.constant 0 : i32
      %dma_start3A_43 = tpu.memref_slice %arg6[%add3A_13, %dma_start3A_42] : memref<10240x128xf32, #tpu.memory_space<vmem_shared>> -> memref<128x128xf32, #tpu.memory_space<vmem_shared>>
      tpu.enqueue_dma source(%arg7 : memref<128x128xf32, #tpu.memory_space<vmem>>) target(%dma_start3A_43 : memref<128x128xf32, #tpu.memory_space<vmem_shared>>) target_semaphore(%run_scoped3A : memref<!tpu.dma_semaphore, #tpu.memory_space<semaphore_mem>>)
      %dma_wait3A = arith.constant 0 : i32
      %dma_wait3A_44 = tpu.memref_slice %arg6[%add3A_13, %dma_wait3A] : memref<10240x128xf32, #tpu.memory_space<vmem_shared>> -> memref<128x128xf32, #tpu.memory_space<vmem_shared>>
      %dma_wait3A_45 = arith.constant 0 : i32
      %dma_wait3A_46 = tpu.memref_slice %arg6[%add3A_13, %dma_wait3A_45] : memref<10240x128xf32, #tpu.memory_space<vmem_shared>> -> memref<128x128xf32, #tpu.memory_space<vmem_shared>>
      tpu.wait_dma2 semaphore(%run_scoped3A : memref<!tpu.dma_semaphore, #tpu.memory_space<semaphore_mem>>) src(%arg7 : memref<128x128xf32, #tpu.memory_space<vmem>>) dst(%dma_wait3A_46 : memref<128x128xf32, #tpu.memory_space<vmem_shared>>)
      tpu.yield
    }) : () -> ()
    %mul3A_14 = arith.constant 640 : i32
    %mul3A_15 = arith.muli %arg1, %mul3A_14 : i32
    %add3A_16 = arith.constant 256 : i32
    %add3A_17 = arith.addi %mul3A_15, %add3A_16 : i32
    "tpu.region"() ({
      %run_scoped3A = tpu.sem_alloc : memref<!tpu.dma_semaphore, #tpu.memory_space<semaphore_mem>>
      %dma_start3A = arith.constant 0 : i32
      %dma_start3A_41 = tpu.memref_slice %arg6[%add3A_17, %dma_start3A] : memref<10240x128xf32, #tpu.memory_space<vmem_shared>> -> memref<128x128xf32, #tpu.memory_space<vmem_shared>>
      %dma_start3A_42 = arith.constant 0 : i32
      %dma_start3A_43 = tpu.memref_slice %arg6[%add3A_17, %dma_start3A_42] : memref<10240x128xf32, #tpu.memory_space<vmem_shared>> -> memref<128x128xf32, #tpu.memory_space<vmem_shared>>
      tpu.enqueue_dma source(%arg7 : memref<128x128xf32, #tpu.memory_space<vmem>>) target(%dma_start3A_43 : memref<128x128xf32, #tpu.memory_space<vmem_shared>>) target_semaphore(%run_scoped3A : memref<!tpu.dma_semaphore, #tpu.memory_space<semaphore_mem>>)
      %dma_wait3A = arith.constant 0 : i32
      %dma_wait3A_44 = tpu.memref_slice %arg6[%add3A_17, %dma_wait3A] : memref<10240x128xf32, #tpu.memory_space<vmem_shared>> -> memref<128x128xf32, #tpu.memory_space<vmem_shared>>
      %dma_wait3A_45 = arith.constant 0 : i32
      %dma_wait3A_46 = tpu.memref_slice %arg6[%add3A_17, %dma_wait3A_45] : memref<10240x128xf32, #tpu.memory_space<vmem_shared>> -> memref<128x128xf32, #tpu.memory_space<vmem_shared>>
      tpu.wait_dma2 semaphore(%run_scoped3A : memref<!tpu.dma_semaphore, #tpu.memory_space<semaphore_mem>>) src(%arg7 : memref<128x128xf32, #tpu.memory_space<vmem>>) dst(%dma_wait3A_46 : memref<128x128xf32, #tpu.memory_space<vmem_shared>>)
      tpu.yield
    }) : () -> ()
    %mul3A_18 = arith.constant 640 : i32
    %mul3A_19 = arith.muli %arg1, %mul3A_18 : i32
    %add3A_20 = arith.constant 384 : i32
    %add3A_21 = arith.addi %mul3A_19, %add3A_20 : i32
    "tpu.region"() ({
      %run_scoped3A = tpu.sem_alloc : memref<!tpu.dma_semaphore, #tpu.memory_space<semaphore_mem>>
      %dma_start3A = arith.constant 0 : i32
      %dma_start3A_41 = tpu.memref_slice %arg6[%add3A_21, %dma_start3A] : memref<10240x128xf32, #tpu.memory_space<vmem_shared>> -> memref<128x128xf32, #tpu.memory_space<vmem_shared>>
      %dma_start3A_42 = arith.constant 0 : i32
      %dma_start3A_43 = tpu.memref_slice %arg6[%add3A_21, %dma_start3A_42] : memref<10240x128xf32, #tpu.memory_space<vmem_shared>> -> memref<128x128xf32, #tpu.memory_space<vmem_shared>>
      tpu.enqueue_dma source(%arg7 : memref<128x128xf32, #tpu.memory_space<vmem>>) target(%dma_start3A_43 : memref<128x128xf32, #tpu.memory_space<vmem_shared>>) target_semaphore(%run_scoped3A : memref<!tpu.dma_semaphore, #tpu.memory_space<semaphore_mem>>)
      %dma_wait3A = arith.constant 0 : i32
      %dma_wait3A_44 = tpu.memref_slice %arg6[%add3A_21, %dma_wait3A] : memref<10240x128xf32, #tpu.memory_space<vmem_shared>> -> memref<128x128xf32, #tpu.memory_space<vmem_shared>>
      %dma_wait3A_45 = arith.constant 0 : i32
      %dma_wait3A_46 = tpu.memref_slice %arg6[%add3A_21, %dma_wait3A_45] : memref<10240x128xf32, #tpu.memory_space<vmem_shared>> -> memref<128x128xf32, #tpu.memory_space<vmem_shared>>
      tpu.wait_dma2 semaphore(%run_scoped3A : memref<!tpu.dma_semaphore, #tpu.memory_space<semaphore_mem>>) src(%arg7 : memref<128x128xf32, #tpu.memory_space<vmem>>) dst(%dma_wait3A_46 : memref<128x128xf32, #tpu.memory_space<vmem_shared>>)
      tpu.yield
    }) : () -> ()
    %mul3A_22 = arith.constant 640 : i32
    %mul3A_23 = arith.muli %arg1, %mul3A_22 : i32
    %add3A_24 = arith.constant 512 : i32
    %add3A_25 = arith.addi %mul3A_23, %add3A_24 : i32
    "tpu.region"() ({
      %run_scoped3A = tpu.sem_alloc : memref<!tpu.dma_semaphore, #tpu.memory_space<semaphore_mem>>
      %dma_start3A = arith.constant 0 : i32
      %dma_start3A_41 = tpu.memref_slice %arg6[%add3A_25, %dma_start3A] : memref<10240x128xf32, #tpu.memory_space<vmem_shared>> -> memref<128x128xf32, #tpu.memory_space<vmem_shared>>
      %dma_start3A_42 = arith.constant 0 : i32
      %dma_start3A_43 = tpu.memref_slice %arg6[%add3A_25, %dma_start3A_42] : memref<10240x128xf32, #tpu.memory_space<vmem_shared>> -> memref<128x128xf32, #tpu.memory_space<vmem_shared>>
      tpu.enqueue_dma source(%arg7 : memref<128x128xf32, #tpu.memory_space<vmem>>) target(%dma_start3A_43 : memref<128x128xf32, #tpu.memory_space<vmem_shared>>) target_semaphore(%run_scoped3A : memref<!tpu.dma_semaphore, #tpu.memory_space<semaphore_mem>>)
      %dma_wait3A = arith.constant 0 : i32
      %dma_wait3A_44 = tpu.memref_slice %arg6[%add3A_25, %dma_wait3A] : memref<10240x128xf32, #tpu.memory_space<vmem_shared>> -> memref<128x128xf32, #tpu.memory_space<vmem_shared>>
      %dma_wait3A_45 = arith.constant 0 : i32
      %dma_wait3A_46 = tpu.memref_slice %arg6[%add3A_25, %dma_wait3A_45] : memref<10240x128xf32, #tpu.memory_space<vmem_shared>> -> memref<128x128xf32, #tpu.memory_space<vmem_shared>>
      tpu.wait_dma2 semaphore(%run_scoped3A : memref<!tpu.dma_semaphore, #tpu.memory_space<semaphore_mem>>) src(%arg7 : memref<128x128xf32, #tpu.memory_space<vmem>>) dst(%dma_wait3A_46 : memref<128x128xf32, #tpu.memory_space<vmem_shared>>)
      tpu.yield
    }) : () -> ()
    %barrier3A = arith.constant 0 : index
    tpu.barrier barrier_id(%barrier3A)
    %mul3A_26 = arith.constant 10000 : i32
    %mul3A_27 = arith.muli %add3A, %mul3A_26 : i32
    %scan3A_28 = arith.constant 0 : i32
    %scan3A_29 = arith.constant 0 : i32
    %scan3A_30 = arith.constant 125 : i32
    %scan3A_31 = arith.addi %scan3A_29, %scan3A_30 : i32
    %scan3A_32 = arith.constant 1 : i32
    scf.for %scan3A_41 = %scan3A_29 to %scan3A_31 step %scan3A_32  : i32 {
      %mul3A_42 = arith.constant 80 : i32
      %mul3A_43 = arith.muli %scan3A_41, %mul3A_42 : i32
      %add3A_44 = arith.addi %mul3A_27, %mul3A_43 : i32
      "tpu.region"() ({
        %run_scoped3A = tpu.sem_alloc : memref<!tpu.dma_semaphore, #tpu.memory_space<semaphore_mem>>
        %dma_start3A_49 = tpu.memref_slice %arg3[%add3A_44] : memref<320000xi32, #tpu.memory_space<hbm>> -> memref<80xi32, #tpu.memory_space<hbm>>
        %dma_start3A_50 = tpu.memref_slice %arg3[%add3A_44] : memref<320000xi32, #tpu.memory_space<hbm>> -> memref<80xi32, #tpu.memory_space<hbm>>
        tpu.enqueue_dma source(%dma_start3A_50 : memref<80xi32, #tpu.memory_space<hbm>>) target(%arg8 : memref<80xi32, #tpu.memory_space<vmem>>) target_semaphore(%run_scoped3A : memref<!tpu.dma_semaphore, #tpu.memory_space<semaphore_mem>>)
        %dma_wait3A_51 = tpu.memref_slice %arg3[%add3A_44] : memref<320000xi32, #tpu.memory_space<hbm>> -> memref<80xi32, #tpu.memory_space<hbm>>
        %dma_wait3A_52 = tpu.memref_slice %arg3[%add3A_44] : memref<320000xi32, #tpu.memory_space<hbm>> -> memref<80xi32, #tpu.memory_space<hbm>>
        tpu.wait_dma2 semaphore(%run_scoped3A : memref<!tpu.dma_semaphore, #tpu.memory_space<semaphore_mem>>) src(%dma_wait3A_52 : memref<80xi32, #tpu.memory_space<hbm>>) dst(%arg8 : memref<80xi32, #tpu.memory_space<vmem>>)
        tpu.yield
      }) : () -> ()
      "tpu.region"() ({
        %run_scoped3A = tpu.sem_alloc : memref<!tpu.dma_semaphore, #tpu.memory_space<semaphore_mem>>
        %dma_start3A_49 = tpu.memref_slice %arg4[%add3A_44] : memref<320000xi32, #tpu.memory_space<hbm>> -> memref<80xi32, #tpu.memory_space<hbm>>
        %dma_start3A_50 = tpu.memref_slice %arg4[%add3A_44] : memref<320000xi32, #tpu.memory_space<hbm>> -> memref<80xi32, #tpu.memory_space<hbm>>
        tpu.enqueue_dma source(%dma_start3A_50 : memref<80xi32, #tpu.memory_space<hbm>>) target(%arg9 : memref<80xi32, #tpu.memory_space<vmem>>) target_semaphore(%run_scoped3A : memref<!tpu.dma_semaphore, #tpu.memory_space<semaphore_mem>>)
        %dma_wait3A_51 = tpu.memref_slice %arg4[%add3A_44] : memref<320000xi32, #tpu.memory_space<hbm>> -> memref<80xi32, #tpu.memory_space<hbm>>
        %dma_wait3A_52 = tpu.memref_slice %arg4[%add3A_44] : memref<320000xi32, #tpu.memory_space<hbm>> -> memref<80xi32, #tpu.memory_space<hbm>>
        tpu.wait_dma2 semaphore(%run_scoped3A : memref<!tpu.dma_semaphore, #tpu.memory_space<semaphore_mem>>) src(%dma_wait3A_52 : memref<80xi32, #tpu.memory_space<hbm>>) dst(%arg9 : memref<80xi32, #tpu.memory_space<vmem>>)
        tpu.yield
      }) : () -> ()
      %dma_start3A = arith.constant 0 : i32
      %dma_start3A_45 = arith.constant 0 : i32
      %dma_start3A_46 = tpu.memref_slice %arg2[%dma_start3A, %dma_start3A_45] : memref<10000x128xf32, #tpu.memory_space<hbm>> -> memref<10000x128xf32, #tpu.memory_space<hbm>>
      tpu.enqueue_indirect_dma source(%dma_start3A_46 : memref<10000x128xf32, #tpu.memory_space<hbm>>) target(%arg10 : memref<80x128xf32, #tpu.memory_space<vmem>>) offsets(%arg8 : memref<80xi32, #tpu.memory_space<vmem>>) semaphore(%arg11 : memref<!tpu.dma_semaphore, #tpu.memory_space<semaphore_mem>>)
      %dma_wait3A = arith.constant 0 : i32
      %dma_wait3A_47 = arith.constant 0 : i32
      %dma_wait3A_48 = tpu.memref_slice %arg2[%dma_wait3A, %dma_wait3A_47] : memref<10000x128xf32, #tpu.memory_space<hbm>> -> memref<10000x128xf32, #tpu.memory_space<hbm>>
      tpu.wait_indirect_dma semaphore(%arg11 : memref<!tpu.dma_semaphore, #tpu.memory_space<semaphore_mem>>) src(%dma_wait3A_48 : memref<10000x128xf32, #tpu.memory_space<hbm>>) dst(%arg10 : memref<80x128xf32, #tpu.memory_space<vmem>>)
      "tpu.region"() ({
        %run_scoped3A = tpu.sem_alloc : memref<!tpu.dma_semaphore, #tpu.memory_space<semaphore_mem>>
        %dma_start3A_49 = arith.constant 0 : i32
        %dma_start3A_50 = arith.constant 0 : i32
        %dma_start3A_51 = tpu.memref_slice %arg6[%dma_start3A_49, %dma_start3A_50] : memref<10240x128xf32, #tpu.memory_space<vmem_shared>> -> memref<10240x128xf32, #tpu.memory_space<vmem_shared>>
        tpu.enqueue_indirect_dma source(%arg10 : memref<80x128xf32, #tpu.memory_space<vmem>>) target(%dma_start3A_51 : memref<10240x128xf32, #tpu.memory_space<vmem_shared>>) offsets(%arg9 : memref<80xi32, #tpu.memory_space<vmem>>) semaphore(%run_scoped3A : memref<!tpu.dma_semaphore, #tpu.memory_space<semaphore_mem>>) {add = true}
        %dma_wait3A_52 = arith.constant 0 : i32
        %dma_wait3A_53 = arith.constant 0 : i32
        %dma_wait3A_54 = tpu.memref_slice %arg6[%dma_wait3A_52, %dma_wait3A_53] : memref<10240x128xf32, #tpu.memory_space<vmem_shared>> -> memref<10240x128xf32, #tpu.memory_space<vmem_shared>>
        tpu.wait_indirect_dma semaphore(%run_scoped3A : memref<!tpu.dma_semaphore, #tpu.memory_space<semaphore_mem>>) src(%arg10 : memref<80x128xf32, #tpu.memory_space<vmem>>) dst(%dma_wait3A_54 : memref<10240x128xf32, #tpu.memory_space<vmem_shared>>)
        tpu.yield
      }) : () -> ()
    }
    %scan3A_33 = arith.constant 125 : i32
    %barrier3A_34 = arith.constant 0 : index
    tpu.barrier barrier_id(%barrier3A_34)
    %mul3A_35 = arith.constant 624 : i32
    %mul3A_36 = arith.muli %arg1, %mul3A_35 : i32
    %mul3A_37 = arith.constant 624 : i32
    %mul3A_38 = arith.muli %arg1, %mul3A_37 : i32
    "tpu.region"() ({
      %run_scoped3A = tpu.sem_alloc : memref<!tpu.dma_semaphore, #tpu.memory_space<semaphore_mem>>
      %dma_start3A = arith.constant 0 : i32
      %dma_start3A_41 = tpu.memref_slice %arg5[%arg0, %mul3A_38, %dma_start3A] : memref<2x10000x128xf32, #tpu.memory_space<hbm>> -> memref<1x624x128xf32, #tpu.memory_space<hbm>>
      %dma_start3A_42 = tpu.memref_squeeze %dma_start3A_41 : memref<1x624x128xf32, #tpu.memory_space<hbm>> -> memref<624x128xf32, #tpu.memory_space<hbm>>
      %dma_start3A_43 = arith.constant 0 : i32
      %dma_start3A_44 = tpu.memref_slice %arg6[%mul3A_36, %dma_start3A_43] : memref<10240x128xf32, #tpu.memory_space<vmem_shared>> -> memref<624x128xf32, #tpu.memory_space<vmem_shared>>
      tpu.enqueue_dma source(%dma_start3A_44 : memref<624x128xf32, #tpu.memory_space<vmem_shared>>) target(%dma_start3A_42 : memref<624x128xf32, #tpu.memory_space<hbm>>) target_semaphore(%run_scoped3A : memref<!tpu.dma_semaphore, #tpu.memory_space<semaphore_mem>>)
      %dma_wait3A = arith.constant 0 : i32
      %dma_wait3A_45 = tpu.memref_slice %arg5[%arg0, %mul3A_38, %dma_wait3A] : memref<2x10000x128xf32, #tpu.memory_space<hbm>> -> memref<1x624x128xf32, #tpu.memory_space<hbm>>
      %dma_wait3A_46 = tpu.memref_squeeze %dma_wait3A_45 : memref<1x624x128xf32, #tpu.memory_space<hbm>> -> memref<624x128xf32, #tpu.memory_space<hbm>>
      %dma_wait3A_47 = arith.constant 0 : i32
      %dma_wait3A_48 = tpu.memref_slice %arg6[%mul3A_36, %dma_wait3A_47] : memref<10240x128xf32, #tpu.memory_space<vmem_shared>> -> memref<624x128xf32, #tpu.memory_space<vmem_shared>>
      tpu.wait_dma2 semaphore(%run_scoped3A : memref<!tpu.dma_semaphore, #tpu.memory_space<semaphore_mem>>) src(%dma_wait3A_48 : memref<624x128xf32, #tpu.memory_space<vmem_shared>>) dst(%dma_wait3A_46 : memref<624x128xf32, #tpu.memory_space<hbm>>)
      tpu.yield
    }) : () -> ()
    %eq3A = arith.constant 0 : i32
    %eq3A_39 = arith.cmpi eq, %arg1, %eq3A : i32
    %convert_element_type3A = arith.extui %eq3A_39 : i1 to i32
    %cond3A = arith.constant 0 : i32
    %cond3A_40 = arith.cmpi ne, %convert_element_type3A, %cond3A : i32
    scf.if %cond3A_40 {
      "tpu.region"() ({
        %run_scoped3A = tpu.sem_alloc : memref<!tpu.dma_semaphore, #tpu.memory_space<semaphore_mem>>
        %dma_start3A = arith.constant 9984 : i32
        %dma_start3A_41 = arith.constant 0 : i32
        %dma_start3A_42 = tpu.memref_slice %arg5[%arg0, %dma_start3A, %dma_start3A_41] : memref<2x10000x128xf32, #tpu.memory_space<hbm>> -> memref<1x16x128xf32, #tpu.memory_space<hbm>>
        %dma_start3A_43 = tpu.memref_squeeze %dma_start3A_42 : memref<1x16x128xf32, #tpu.memory_space<hbm>> -> memref<16x128xf32, #tpu.memory_space<hbm>>
        %dma_start3A_44 = arith.constant 9984 : i32
        %dma_start3A_45 = arith.constant 0 : i32
        %dma_start3A_46 = tpu.memref_slice %arg6[%dma_start3A_44, %dma_start3A_45] : memref<10240x128xf32, #tpu.memory_space<vmem_shared>> -> memref<16x128xf32, #tpu.memory_space<vmem_shared>>
        tpu.enqueue_dma source(%dma_start3A_46 : memref<16x128xf32, #tpu.memory_space<vmem_shared>>) target(%dma_start3A_43 : memref<16x128xf32, #tpu.memory_space<hbm>>) target_semaphore(%run_scoped3A : memref<!tpu.dma_semaphore, #tpu.memory_space<semaphore_mem>>)
        %dma_wait3A = arith.constant 9984 : i32
        %dma_wait3A_47 = arith.constant 0 : i32
        %dma_wait3A_48 = tpu.memref_slice %arg5[%arg0, %dma_wait3A, %dma_wait3A_47] : memref<2x10000x128xf32, #tpu.memory_space<hbm>> -> memref<1x16x128xf32, #tpu.memory_space<hbm>>
        %dma_wait3A_49 = tpu.memref_squeeze %dma_wait3A_48 : memref<1x16x128xf32, #tpu.memory_space<hbm>> -> memref<16x128xf32, #tpu.memory_space<hbm>>
        %dma_wait3A_50 = arith.constant 9984 : i32
        %dma_wait3A_51 = arith.constant 0 : i32
        %dma_wait3A_52 = tpu.memref_slice %arg6[%dma_wait3A_50, %dma_wait3A_51] : memref<10240x128xf32, #tpu.memory_space<vmem_shared>> -> memref<16x128xf32, #tpu.memory_space<vmem_shared>>
        tpu.wait_dma2 semaphore(%run_scoped3A : memref<!tpu.dma_semaphore, #tpu.memory_space<semaphore_mem>>) src(%dma_wait3A_52 : memref<16x128xf32, #tpu.memory_space<vmem_shared>>) dst(%dma_wait3A_49 : memref<16x128xf32, #tpu.memory_space<hbm>>)
        tpu.yield
      }) : () -> ()
    } else {
    }
    return
  }
}

module attributes {stable_mosaic.version = 14 : i64} {
  func.func @_relu_add_body(%arg0: i32, %arg1: memref<2x1000x128xf32, #tpu.memory_space<vmem>>, %arg2: memref<1x128xf32, #tpu.memory_space<vmem>>, %arg3: memref<1000x128xf32, #tpu.memory_space<vmem>>) attributes {dimension_semantics = [#tpu.dimension_semantics<arbitrary>], iteration_bounds = array<i64: 10>, scalar_prefetch = 0 : i64, scratch_operands = 0 : i64, tpu.core_type = #tpu.core_type<tc>, window_params = [{transform_indices = @transform_0, window_bounds = array<i64: 2, 1000, 128>}, {pipeline_mode = #tpu.pipeline_mode<synchronous>, transform_indices = @transform_1, window_bounds = array<i64: 1, 128>}, {transform_indices = @transform_2, window_bounds = array<i64: 1000, 128>}]} {
    %get3A = arith.constant 0 : index
    %get3A_0 = arith.constant 0 : index
    %get3A_1 = arith.constant 0 : index
    %get3A_2 = vector.load %arg1[%get3A, %get3A_0, %get3A_1] : memref<2x1000x128xf32, #tpu.memory_space<vmem>>, vector<1x1000x128xf32>
    %get3A_3 = vector.shape_cast %get3A_2 : vector<1x1000x128xf32> to vector<1000x128xf32>
    %get3A_4 = arith.constant 1 : index
    %get3A_5 = arith.constant 0 : index
    %get3A_6 = arith.constant 0 : index
    %get3A_7 = vector.load %arg1[%get3A_4, %get3A_5, %get3A_6] : memref<2x1000x128xf32, #tpu.memory_space<vmem>>, vector<1x1000x128xf32>
    %get3A_8 = vector.shape_cast %get3A_7 : vector<1x1000x128xf32> to vector<1000x128xf32>
    %add3A = arith.addf %get3A_3, %get3A_8 : vector<1000x128xf32>
    %get3A_9 = arith.constant 0 : index
    %get3A_10 = arith.constant 0 : index
    %get3A_11 = vector.load %arg2[%get3A_9, %get3A_10] : memref<1x128xf32, #tpu.memory_space<vmem>>, vector<1x128xf32>
    %add3A_12 = vector.broadcast %get3A_11 : vector<1x128xf32> to vector<1000x128xf32>
    %add3A_13 = arith.addf %add3A, %add3A_12 : vector<1000x128xf32>
    %max3A = arith.constant 0.000000e+00 : f32
    %max3A_14 = vector.broadcast %max3A : f32 to vector<1000x128xf32>
    %max3A_15 = arith.maximumf %add3A_13, %max3A_14 : vector<1000x128xf32>
    %swap3A = arith.constant 0 : index
    %swap3A_16 = arith.constant 0 : index
    %swap3A_17 = vector.load %arg3[%swap3A, %swap3A_16] : memref<1000x128xf32, #tpu.memory_space<vmem>>, vector<1000x128xf32>
    tpu.vector_store %arg3[%swap3A, %swap3A_16], %max3A_15 {strides = array<i32>} : memref<1000x128xf32, #tpu.memory_space<vmem>>, vector<1000x128xf32>,
    return
  }
  func.func @transform_0(%arg0: i32) -> (i32, i32, i32) {
    %c0_i32 = arith.constant 0 : i32
    %c0_i32_0 = arith.constant 0 : i32
    %c0_i32_1 = arith.constant 0 : i32
    return %c0_i32, %arg0, %c0_i32_0 : i32, i32, i32
  }
  func.func @transform_1(%arg0: i32) -> (i32, i32) {
    %c0_i32 = arith.constant 0 : i32
    %c0_i32_0 = arith.constant 0 : i32
    %c0_i32_1 = arith.constant 0 : i32
    return %c0_i32, %c0_i32_0 : i32, i32
  }
  func.func @transform_2(%arg0: i32) -> (i32, i32) {
    %c0_i32 = arith.constant 0 : i32
    %c0_i32_0 = arith.constant 0 : i32
    return %arg0, %c0_i32 : i32, i32
  }
}

module attributes {stable_mosaic.version = 14 : i64} {
  func.func @_relu_mm_body(%arg0: i32, %arg1: memref<2x1000x128xf32, #tpu.memory_space<vmem>>, %arg2: memref<1x128xf32, #tpu.memory_space<vmem>>, %arg3: memref<128x128xf32, #tpu.memory_space<vmem>>, %arg4: memref<1000x128xf32, #tpu.memory_space<vmem>>) attributes {dimension_semantics = [#tpu.dimension_semantics<arbitrary>], iteration_bounds = array<i64: 10>, scalar_prefetch = 0 : i64, scratch_operands = 0 : i64, tpu.core_type = #tpu.core_type<tc>, window_params = [{transform_indices = @transform_0, window_bounds = array<i64: 2, 1000, 128>}, {pipeline_mode = #tpu.pipeline_mode<synchronous>, transform_indices = @transform_1, window_bounds = array<i64: 1, 128>}, {pipeline_mode = #tpu.pipeline_mode<synchronous>, transform_indices = @transform_2, window_bounds = array<i64: 128, 128>}, {transform_indices = @transform_3, window_bounds = array<i64: 1000, 128>}]} {
    %get3A = arith.constant 0 : index
    %get3A_0 = arith.constant 0 : index
    %get3A_1 = arith.constant 0 : index
    %get3A_2 = vector.load %arg1[%get3A, %get3A_0, %get3A_1] : memref<2x1000x128xf32, #tpu.memory_space<vmem>>, vector<1x1000x128xf32>
    %get3A_3 = vector.shape_cast %get3A_2 : vector<1x1000x128xf32> to vector<1000x128xf32>
    %get3A_4 = arith.constant 1 : index
    %get3A_5 = arith.constant 0 : index
    %get3A_6 = arith.constant 0 : index
    %get3A_7 = vector.load %arg1[%get3A_4, %get3A_5, %get3A_6] : memref<2x1000x128xf32, #tpu.memory_space<vmem>>, vector<1x1000x128xf32>
    %get3A_8 = vector.shape_cast %get3A_7 : vector<1x1000x128xf32> to vector<1000x128xf32>
    %add3A = arith.addf %get3A_3, %get3A_8 : vector<1000x128xf32>
    %get3A_9 = arith.constant 0 : index
    %get3A_10 = arith.constant 0 : index
    %get3A_11 = vector.load %arg2[%get3A_9, %get3A_10] : memref<1x128xf32, #tpu.memory_space<vmem>>, vector<1x128xf32>
    %add3A_12 = vector.broadcast %get3A_11 : vector<1x128xf32> to vector<1000x128xf32>
    %add3A_13 = arith.addf %add3A, %add3A_12 : vector<1000x128xf32>
    %max3A = arith.constant 0.000000e+00 : f32
    %max3A_14 = vector.broadcast %max3A : f32 to vector<1000x128xf32>
    %max3A_15 = arith.maximumf %add3A_13, %max3A_14 : vector<1000x128xf32>
    %get3A_16 = arith.constant 0 : index
    %get3A_17 = arith.constant 0 : index
    %get3A_18 = vector.load %arg3[%get3A_16, %get3A_17] : memref<128x128xf32, #tpu.memory_space<vmem>>, vector<128x128xf32>
    %dot_general3A = arith.constant dense<0.000000e+00> : vector<1000x128xf32>
    %dot_general3A_19 = tpu.matmul %max3A_15, %get3A_18, %dot_general3A {dimension_numbers = #tpu.dot_dimension_numbers<[1], [0], [0], [1], [0, 0, 1, 1], [], []>, transpose_lhs_hint = false} : vector<1000x128xf32>, vector<128x128xf32>, vector<1000x128xf32> -> vector<1000x128xf32>
    %swap3A = arith.constant 0 : index
    %swap3A_20 = arith.constant 0 : index
    %swap3A_21 = vector.load %arg4[%swap3A, %swap3A_20] : memref<1000x128xf32, #tpu.memory_space<vmem>>, vector<1000x128xf32>
    tpu.vector_store %arg4[%swap3A, %swap3A_20], %dot_general3A_19 {strides = array<i32>} : memref<1000x128xf32, #tpu.memory_space<vmem>>, vector<1000x128xf32>,
    return
  }
  func.func @transform_0(%arg0: i32) -> (i32, i32, i32) {
    %c0_i32 = arith.constant 0 : i32
    %c0_i32_0 = arith.constant 0 : i32
    %c0_i32_1 = arith.constant 0 : i32
    return %c0_i32, %arg0, %c0_i32_0 : i32, i32, i32
  }
  func.func @transform_1(%arg0: i32) -> (i32, i32) {
    %c0_i32 = arith.constant 0 : i32
    %c0_i32_0 = arith.constant 0 : i32
    %c0_i32_1 = arith.constant 0 : i32
    return %c0_i32, %c0_i32_0 : i32, i32
  }
  func.func @transform_2(%arg0: i32) -> (i32, i32) {
    %c0_i32 = arith.constant 0 : i32
    %c0_i32_0 = arith.constant 0 : i32
    %c0_i32_1 = arith.constant 0 : i32
    return %c0_i32, %c0_i32_0 : i32, i32
  }
  func.func @transform_3(%arg0: i32) -> (i32, i32) {
    %c0_i32 = arith.constant 0 : i32
    %c0_i32_0 = arith.constant 0 : i32
    return %arg0, %c0_i32 : i32, i32
  }
}

module attributes {stable_mosaic.version = 14 : i64} {
  func.func @_mm_body(%arg0: i32, %arg1: memref<1000x128xf32, #tpu.memory_space<vmem>>, %arg2: memref<128x128xf32, #tpu.memory_space<vmem>>, %arg3: memref<1000x128xf32, #tpu.memory_space<vmem>>) attributes {dimension_semantics = [#tpu.dimension_semantics<arbitrary>], iteration_bounds = array<i64: 10>, scalar_prefetch = 0 : i64, scratch_operands = 0 : i64, tpu.core_type = #tpu.core_type<tc>, window_params = [{transform_indices = @transform_0, window_bounds = array<i64: 1000, 128>}, {pipeline_mode = #tpu.pipeline_mode<synchronous>, transform_indices = @transform_1, window_bounds = array<i64: 128, 128>}, {transform_indices = @transform_2, window_bounds = array<i64: 1000, 128>}]} {
    %get3A = arith.constant 0 : index
    %get3A_0 = arith.constant 0 : index
    %get3A_1 = vector.load %arg1[%get3A, %get3A_0] : memref<1000x128xf32, #tpu.memory_space<vmem>>, vector<1000x128xf32>
    %get3A_2 = arith.constant 0 : index
    %get3A_3 = arith.constant 0 : index
    %get3A_4 = vector.load %arg2[%get3A_2, %get3A_3] : memref<128x128xf32, #tpu.memory_space<vmem>>, vector<128x128xf32>
    %dot_general3A = arith.constant dense<0.000000e+00> : vector<1000x128xf32>
    %dot_general3A_5 = tpu.matmul %get3A_1, %get3A_4, %dot_general3A {dimension_numbers = #tpu.dot_dimension_numbers<[1], [0], [0], [1], [0, 0, 1, 1], [], []>, transpose_lhs_hint = false} : vector<1000x128xf32>, vector<128x128xf32>, vector<1000x128xf32> -> vector<1000x128xf32>
    %swap3A = arith.constant 0 : index
    %swap3A_6 = arith.constant 0 : index
    %swap3A_7 = vector.load %arg3[%swap3A, %swap3A_6] : memref<1000x128xf32, #tpu.memory_space<vmem>>, vector<1000x128xf32>
    tpu.vector_store %arg3[%swap3A, %swap3A_6], %dot_general3A_5 {strides = array<i32>} : memref<1000x128xf32, #tpu.memory_space<vmem>>, vector<1000x128xf32>,
    return
  }
  func.func @transform_0(%arg0: i32) -> (i32, i32) {
    %c0_i32 = arith.constant 0 : i32
    %c0_i32_0 = arith.constant 0 : i32
    return %arg0, %c0_i32 : i32, i32
  }
  func.func @transform_1(%arg0: i32) -> (i32, i32) {
    %c0_i32 = arith.constant 0 : i32
    %c0_i32_0 = arith.constant 0 : i32
    %c0_i32_1 = arith.constant 0 : i32
    return %c0_i32, %c0_i32_0 : i32, i32
  }
  func.func @transform_2(%arg0: i32) -> (i32, i32) {
    %c0_i32 = arith.constant 0 : i32
    %c0_i32_0 = arith.constant 0 : i32
    return %arg0, %c0_i32 : i32, i32
  }
}

module attributes {stable_mosaic.version = 14 : i64} {
  func.func @_add_mm_body(%arg0: i32, %arg1: memref<2x1000x128xf32, #tpu.memory_space<vmem>>, %arg2: memref<1x128xf32, #tpu.memory_space<vmem>>, %arg3: memref<128x128xf32, #tpu.memory_space<vmem>>, %arg4: memref<1000x128xf32, #tpu.memory_space<vmem>>) attributes {dimension_semantics = [#tpu.dimension_semantics<arbitrary>], iteration_bounds = array<i64: 10>, scalar_prefetch = 0 : i64, scratch_operands = 0 : i64, tpu.core_type = #tpu.core_type<tc>, window_params = [{transform_indices = @transform_0, window_bounds = array<i64: 2, 1000, 128>}, {pipeline_mode = #tpu.pipeline_mode<synchronous>, transform_indices = @transform_1, window_bounds = array<i64: 1, 128>}, {pipeline_mode = #tpu.pipeline_mode<synchronous>, transform_indices = @transform_2, window_bounds = array<i64: 128, 128>}, {transform_indices = @transform_3, window_bounds = array<i64: 1000, 128>}]} {
    %get3A = arith.constant 0 : index
    %get3A_0 = arith.constant 0 : index
    %get3A_1 = arith.constant 0 : index
    %get3A_2 = vector.load %arg1[%get3A, %get3A_0, %get3A_1] : memref<2x1000x128xf32, #tpu.memory_space<vmem>>, vector<1x1000x128xf32>
    %get3A_3 = vector.shape_cast %get3A_2 : vector<1x1000x128xf32> to vector<1000x128xf32>
    %get3A_4 = arith.constant 1 : index
    %get3A_5 = arith.constant 0 : index
    %get3A_6 = arith.constant 0 : index
    %get3A_7 = vector.load %arg1[%get3A_4, %get3A_5, %get3A_6] : memref<2x1000x128xf32, #tpu.memory_space<vmem>>, vector<1x1000x128xf32>
    %get3A_8 = vector.shape_cast %get3A_7 : vector<1x1000x128xf32> to vector<1000x128xf32>
    %add3A = arith.addf %get3A_3, %get3A_8 : vector<1000x128xf32>
    %get3A_9 = arith.constant 0 : index
    %get3A_10 = arith.constant 0 : index
    %get3A_11 = vector.load %arg3[%get3A_9, %get3A_10] : memref<128x128xf32, #tpu.memory_space<vmem>>, vector<128x128xf32>
    %dot_general3A = arith.constant dense<0.000000e+00> : vector<1000x128xf32>
    %dot_general3A_12 = tpu.matmul %add3A, %get3A_11, %dot_general3A {dimension_numbers = #tpu.dot_dimension_numbers<[1], [0], [0], [1], [0, 0, 1, 1], [], []>, transpose_lhs_hint = false} : vector<1000x128xf32>, vector<128x128xf32>, vector<1000x128xf32> -> vector<1000x128xf32>
    %get3A_13 = arith.constant 0 : index
    %get3A_14 = arith.constant 0 : index
    %get3A_15 = vector.load %arg2[%get3A_13, %get3A_14] : memref<1x128xf32, #tpu.memory_space<vmem>>, vector<1x128xf32>
    %add3A_16 = vector.broadcast %get3A_15 : vector<1x128xf32> to vector<1000x128xf32>
    %add3A_17 = arith.addf %dot_general3A_12, %add3A_16 : vector<1000x128xf32>
    %swap3A = arith.constant 0 : index
    %swap3A_18 = arith.constant 0 : index
    %swap3A_19 = vector.load %arg4[%swap3A, %swap3A_18] : memref<1000x128xf32, #tpu.memory_space<vmem>>, vector<1000x128xf32>
    tpu.vector_store %arg4[%swap3A, %swap3A_18], %add3A_17 {strides = array<i32>} : memref<1000x128xf32, #tpu.memory_space<vmem>>, vector<1000x128xf32>,
    return
  }
  func.func @transform_0(%arg0: i32) -> (i32, i32, i32) {
    %c0_i32 = arith.constant 0 : i32
    %c0_i32_0 = arith.constant 0 : i32
    %c0_i32_1 = arith.constant 0 : i32
    return %c0_i32, %arg0, %c0_i32_0 : i32, i32, i32
  }
  func.func @transform_1(%arg0: i32) -> (i32, i32) {
    %c0_i32 = arith.constant 0 : i32
    %c0_i32_0 = arith.constant 0 : i32
    %c0_i32_1 = arith.constant 0 : i32
    return %c0_i32, %c0_i32_0 : i32, i32
  }
  func.func @transform_2(%arg0: i32) -> (i32, i32) {
    %c0_i32 = arith.constant 0 : i32
    %c0_i32_0 = arith.constant 0 : i32
    %c0_i32_1 = arith.constant 0 : i32
    return %c0_i32, %c0_i32_0 : i32, i32
  }
  func.func @transform_3(%arg0: i32) -> (i32, i32) {
    %c0_i32 = arith.constant 0 : i32
    %c0_i32_0 = arith.constant 0 : i32
    return %arg0, %c0_i32 : i32, i32
  }
}

</mosaic_0001>

<sc_bundles>
// kernel: kernel.12.cloned.1.call-start
scs
__scs_entry_jumppad:
0x0: {  	(pc) =	sbr.rel $0x88, $3  }
0x1: {  	(tag) =	ssettag $0x0;
	lr =	simm.s32 $0x1  }
0x2: {  	[smem:$0x3F99] =	sst lr;
	_ =	strace $0xD0000000  }
0x3: {  	_ = 	snop  }
0x4: {  	_ = 	snop  }
0x5: {  	_ = 	snop  }
0x6: {  	_ = 	snop  }
0x7: {  	_ = 	snop  }
__scs_overlays_trampoline_lowered:
0x8: {  	[smem:$0x3FA8] =	sst s0  }
0x9: {  	[smem:$0x3FA9] =	sst s1  }
0xa: {  	[smem:$0x3FAA] =	sst s2  }
0xb: {  	[smem:$0x3FAB] =	sst s3  }
0xc: {  	[smem:$0x3FAC] =	sst s4  }
0xd: {  	[smem:$0x3FAD] =	sst s5  }
0xe: {  	[smem:$0x3FAE] =	sst s6  }
0xf: {  	[smem:$0x3FAF] =	sst s7  }
0x10: {  	[smem:$0x3FB0] =	sst s8  }
0x11: {  	[smem:$0x3FB1] =	sst s9;
	s0 =	simm.s32 @!p0 $0x0  }
0x12: {  	s1 =	sld [smem:$0x3F97];
	s0 =	simm.s32 @p0 $0x1  }
0x13: {  	[smem:$0x3FB2] =	sst s0;
	s0 =	simm.s32 @!p1 $0x0  }
0x14: {  	s2 =	sld [smem:$0x3F96];
	s0 =	simm.s32 @p1 $0x1  }
0x15: {  	[smem:$0x3FB3] =	sst s0;
	s0 =	simm.s32 @!p2 $0x0  }
0x16: {  	s3 =	sld [smem:$0x3FDB];
	s0 =	simm.s32 @p2 $0x1  }
0x17: {  	s4 =	simm.s32 $0x1BF5;
	[smem:$0x3FB5] =	sst s0  }
0x18: {  	s0 =	sld [smem:$0x3F98];
	_ =	swait.ge [sflag:s4], $0x0  }
0x19: {  	s7 =	sld [smem:$0x3F99]  }
0x1a: {  	s8 =	sadd.s32 $0xFFFFE003, lr  }
0x1b: {  	s9 =	sadd.s32 $0xFFFFFEF7, lr;
	s5 =	simm.s32 $0xFFFFFFFF;
	p2 =	slt.u32 s8, $0xFFFFF086  }
0x1c: {  	p1 =	slt.u32 s9, $0xF7A;
	s5 =	simm.s32 @!p2 $0x0  }
0x1d: {  	s5 =	simm.s32 @p1 $0x1;
	p0 =	seq.s32 s7, s2  }
0x1e: {  	s7 =	smul.u32 @!p0 $0xF7A, s2;
	p2 =	seq.s32 @!p0 s5, $0x0  }
0x1f: {  	s9 =	smul.u32 $0xF7A, s1;
	s8 =	simm.s32 @!p0 $0x1BF5;
	p2 =	por !p2, p0  }
0x20: {  	[sflag:s8] =	ssyncset.s32 @!p0 $0xFFFFF086;
	s6 =	sadd.s32 @!p0 s3, s7;
	s7 =	simm.s32 @!p0 $0x108  }
0x21: {  	s3 =	sadd.s32 s3, s9;
	s6 =	sadd.s32 @!p0 $0x88, s6;
	s7 =	simm.s32 @p2 $0x1082  }
0x22: {  	[simem:s7], [sflag:s8] =	dma.local @!p0 [hbm:s6], $0xF7A  }
0x23: {  	s9 =	sor.u32 $0xD0000000, s2;
	s6 =	simm.s32 $0x108;
	_ =	swait.ge @!p0 [sflag:s8], $0x0  }
0x24: {  	s3 =	sadd.s32 $0x88, s3;
	s6 =	simm.s32 @!p1 $0x1082;
	[sflag:s4] =	ssyncset.s32 $0xFFFFF086  }
0x25: {  	[simem:s6], [sflag:s4] =	dma.local [hbm:s3], $0xF7A  }
0x26: {  	[smem:$0x3F99] =	sst s1;
	(tag) =	ssettag s2;
	_ =	strace s9  }
0x27: {  	s1 =	sld [smem:$0x3FA9]  }
0x28: {  	s2 =	sld [smem:$0x3FAA]  }
0x29: {  	s4 =	sld [smem:$0x3FAC]  }
0x2a: {  	p0 =	seq.s32 s5, $0x0;
	s5 =	sld [smem:$0x3FAD]  }
0x2b: {  	s6 =	sld [smem:$0x3FAE]  }
0x2c: {  	s7 =	sld [smem:$0x3FAF]  }
0x2d: {  	s3 =	simm.s32 $0x108;
	s8 =	sld [smem:$0x3FB0]  }
0x2e: {  	s3 =	simm.s32 @!p0 $0x1082;
	s9 =	sld [smem:$0x3FB1]  }
0x2f: {  	lr =	sadd.s32 s0, s3;
	s0 =	sld [smem:$0x3FA8]  }
0x30: {  	s3 =	sld [smem:$0x3FAB]  }
0x31: {  	[smem:$0x3FB4] =	sst s10  }
0x32: {  	s10 =	sld [smem:$0x3FB2];
	_ =	sdelay $0x3  }
0x33: {  	p0 =	seq.s32 s10, $0x1;
	s10 =	sld [smem:$0x3FB4];
	_ =	sdelay $0x3  }
0x34: {  	[smem:$0x3FB4] =	sst s10  }
0x35: {  	s10 =	sld [smem:$0x3FB3];
	_ =	sdelay $0x3  }
0x36: {  	p1 =	seq.s32 s10, $0x1;
	s10 =	sld [smem:$0x3FB4];
	_ =	sdelay $0x3  }
0x37: {  	[smem:$0x3FB4] =	sst s10  }
0x38: {  	s10 =	sld [smem:$0x3FB5]  }
0x39: {  	_ = 	snop;
	(pc) =	sbr.ind lr, $3  }
0x3a: {  	_ = 	snop  }
0x3b: {  	_ = 	snop  }
0x3c: {  	p2 =	seq.s32 s10, $0x1;
	s10 =	sld [smem:$0x3FB4]  }
0x3d: {  	_ =	shalt  }
0x3e: {  	_ =	shalt  }
0x3f: {  	_ =	shalt  }
0x40: {  	_ =	shalt  }
0x41: {  	_ =	shalt  }
0x42: {  	_ =	shalt  }
0x43: {  	_ =	shalt  }
0x44: {  	_ =	shalt  }
0x45: {  	_ =	shalt  }
0x46: {  	_ =	shalt  }
0x47: {  	_ =	shalt  }
0x48: {  	_ =	shalt  }
0x49: {  	_ =	shalt  }
0x4a: {  	_ =	shalt  }
0x4b: {  	_ =	shalt  }
0x4c: {  	_ =	shalt  }
0x4d: {  	_ =	shalt  }
0x4e: {  	_ =	shalt  }
0x4f: {  	_ =	shalt  }
0x50: {  	_ =	shalt  }
0x51: {  	_ =	shalt  }
0x52: {  	_ =	shalt  }
0x53: {  	_ =	shalt  }
0x54: {  	_ =	shalt  }
0x55: {  	_ =	shalt  }
0x56: {  	_ =	shalt  }
0x57: {  	_ =	shalt  }
0x58: {  	_ =	shalt  }
0x59: {  	_ =	shalt  }
0x5a: {  	_ =	shalt  }
0x5b: {  	_ =	shalt  }
0x5c: {  	_ =	shalt  }
0x5d: {  	_ =	shalt  }
0x5e: {  	_ =	shalt  }
0x5f: {  	_ =	shalt  }
0x60: {  	_ =	shalt  }
0x61: {  	_ =	shalt  }
0x62: {  	_ =	shalt  }
0x63: {  	_ =	shalt  }
0x64: {  	_ =	shalt  }
0x65: {  	_ =	shalt  }
0x66: {  	_ =	shalt  }
0x67: {  	_ =	shalt  }
0x68: {  	_ =	shalt  }
0x69: {  	_ =	shalt  }
0x6a: {  	_ =	shalt  }
0x6b: {  	_ =	shalt  }
0x6c: {  	_ =	shalt  }
0x6d: {  	_ =	shalt  }
0x6e: {  	_ =	shalt  }
0x6f: {  	_ =	shalt  }
0x70: {  	_ =	shalt  }
0x71: {  	_ =	shalt  }
0x72: {  	_ =	shalt  }
0x73: {  	_ =	shalt  }
0x74: {  	_ =	shalt  }
0x75: {  	_ =	shalt  }
0x76: {  	_ =	shalt  }
0x77: {  	_ =	shalt  }
0x78: {  	_ =	shalt  }
0x79: {  	_ =	shalt  }
0x7a: {  	_ =	shalt  }
0x7b: {  	_ =	shalt  }
0x7c: {  	_ =	shalt  }
0x7d: {  	_ =	shalt  }
0x7e: {  	_ =	shalt  }
0x7f: {  	_ =	shalt  }
0x80: {  	_ =	shalt  }
0x81: {  	_ =	shalt  }
0x82: {  	_ =	shalt  }
0x83: {  	_ =	shalt  }
0x84: {  	_ =	shalt  }
0x85: {  	_ =	shalt  }
0x86: {  	_ =	shalt  }
0x87: {  	_ =	shalt  }
.Lfunc_end0:
.L_simem_size_0:
called_computation.1_lowered:
.L_overlay_start_0:
0x88: {  	s2 =	sld [smem:$0x3FD9]  }
0x89: {  	s3 =	sld [smem:$0x3FFE];
	_ =	sdelay $0x1  }
0x8a: {  	s1 =	srdreg.scid  }
0x8b: {  	s0 =	sand.u32 $0x1, s1  }
0x8c: {  	s17 =	sshll.u32 s0, $0xA;
	s2 =	sadd.s32 s3, s2  }
0x8d: {  	s2 =	sadd.s32 s2, s17  }
0x8e: {  	[smem:$0x3FC0] =	sst s2  }
0x8f: {  	_ = 	snop  }
0x90: {  	s2 =	sld [smem:$0x3FD0];
	(tm) =	ssettm $0x1  }
0x91: {  	s18 =	sld [smem:$0x3FFB];
	_ =	sdelay $0x3  }
0x92: {  	_ =	strace s18  }
0x93: {  	s3 =	sld [smem:$0x3FFC];
	_ =	sdelay $0x3  }
0x94: {  	_ =	strace s3  }
0x95: {  	s3 =	sld [smem:$0x3FFD];
	_ =	sdelay $0x3  }
0x96: {  	_ =	strace s3  }
0x97: {  	_ =	strace $0x8FFFFFFF  }
0x98: {  	s19 =	sld [smem:$0x3FDB];
	_ =	sdelay $0x1  }
0x99: {  	s4 =	simm.s32 $_scs_section_size  }
0x9a: {  	s5 =	simm.s32 $_size__tile_overlayer_lowered;
	s6 =	simm.s32 $_tile_overlayer_lowered  }
0x9b: {  	s22 =	simm.s32 $0x1BFF;
	s21 =	sshll.u32 s6, $0x1;
	s3 =	sadd.s32 s4, s19  }
0x9c: {  	s7 =	simm.s32 $0x0;
	s20 =	sshll.u32 s5, $0x1;
	s5 =	sadd.s32 s21, s3  }
0x9d: {  	[timem:s7], [sflag:s22] =	dma.local [hbm:s5], s20  }
0x9e: {  	_ =	swait.ge [sflag:s22], s20  }
0x9f: {  	s4 =	ssub.s32 $0x0, s20;
	[sflag:s22] =	ssyncset.done $0x0  }
0xa0: {  	[sflag:s22] =	ssyncadd.s32 s4;
	_ =	sdelay $0x1  }
0xa1: {  	s23 =	simm.s32 $0x1B8B  }
0xa2: {  	_ =	swait.ge [sflag:s23], $0x1  }
0xa3: {  	[sflag:s23] =	ssyncset.done $0x0  }
0xa4: {  	s25 =	simm.s32 $0x1B8E;
	s24 =	sld [smem:$0x3FFE];
	[sflag:s23] =	ssyncadd.s32 $0xFFFFFFFF  }
0xa5: {  	s26 =	simm.s32 $execute0_lowered;
	[smem:$0x3FD2] =	sst s25  }
0xa6: {  	s5 =	sshll.u32 s26, $0x1;
	_ =	strace $0x80000049;
	[dreg:$0x1] =	wrdreg $0xFFFFFFFF  }
0xa7: {  	s28 =	simm.s32 $_size_execute0_lowered;
	s3 =	sadd.s32 s3, s5;
	[dreg:$0x0] =	wrdreg $0x0  }
0xa8: {  	s5 =	sshll.u32 s28, $0x1;
	[dreg:$0x2] =	wrdreg s3  }
0xa9: {  	[dreg:$0x3] =	wrdreg s5  }
0xaa: {  	[dreg:$0x4] =	wrdreg $0xC0  }
0xab: {  	_ =	task [dreg:s7], $0x5FFFF  }
0xac: {  	[dreg:$0x1] =	wrdreg $0xFFFFFFFF  }
0xad: {  	[dreg:$0x0] =	wrdreg $0x60  }
0xae: {  	[dreg:$0x2] =	wrdreg s24  }
0xaf: {  	[dreg:$0x3] =	wrdreg s2  }
0xb0: {  	[dreg:$0x4] =	wrdreg $0x0  }
0xb1: {  	[dreg:$0x5] =	wrdreg $0x9  }
0xb2: {  	_ =	task.clear_ibuf [dreg:s7], $0x6FFFF;
	_ =	strace $0x90000049  }
0xb3: {  	s29 =	simm.s32 $0x9;
	_ =	strace $0x8000004B  }
0xb4: {  	_ =	swait.ge [sflag:s29], $0x1  }
0xb5: {  	[sflag:s29] =	ssyncadd.s32 $0xFFFFFFFF  }
0xb6: {  	_ =	strace $0x9000004B  }
0xb7: {  	_ =	sfence  }
0xb8: {  	s30 =	sld [smem:$0x0];
	_ =	sdelay $0x2  }
0xb9: {  	s31 =	sshll.u32 s1, $0xD;
	s1 =	sshrl.u32 s1, $0x2  }
0xba: {  	s3 =	sand.u32 $0x4000, s31;
	s1 =	sadd.s32 s1, s30  }
0xbb: {  	s0 =	sor.u32 s3, s0;
	s1 =	sshll.u32 s1, $0x11  }
0xbc: {  	s0 =	sor.u32 s1, s0  }
0xbd: {  	s0 =	sadd.s32 $0x8F2B, s0  }
0xbe: {  	[sflag:s0] =	ssyncadd.remote.s32 $0x1  }
0xbf: {  	_ =	sfence.sel $0xFFFF  }
0xc0: {  	[dreg:$0x0] =	wrdreg $0xFFFFFFFF;
	(pc) =	sbr.abs _section_cstart, $3  }
0xc1: {  	[dreg:$0x1] =	wrdreg $0xFFFFFFFF  }
0xc2: {  	_ =	task.clear_ibuf [dreg:s7], $0x2FFFF;
	_ =	strace $0x9FFFFFFF  }
0xc3: {  	(tm) =	ssettm $0x7FFFFFFF  }
tec
execute0_lowered:
.L_overlay_start_1:
0x0: {  	(tag) =	ssettag $0x1  }
0x1: {  	s5 =	rddreg [dreg:$0x0]  }
0x2: {  	s1 =	srdreg.scid;
	s13 =	rddreg [dreg:$0x1]  }
0x3: {  	s0 =	stileid.u32;
	s2 =	rddreg [dreg:$0x2]  }
0x4: {  	s3 =	simm.s32 $0x0;
	s18 =	simm.s32 $0x18080;
	s19 =	simm.s32 $0x50  }
0x5: {  	s20 =	simm.s32 $0x18100;
	s21 =	simm.s32 $0x1;
	s4 =	smul.u32 $0x4E20, s0  }
0x6: {  	s6 =	sand.u32 $0x1, s1;
	s1 =	rddreg [dreg:$0x3];
	s29 =	smul.u32 $0x50000, s0  }
0x7: {  	s24 =	simm.s32 $0x0;
	[smem:$0x7FF] =	sst s3;
	s16 =	smul.u32 $0x13800, s0  }
0x8: {  	s10 =	sadd.s32 $0x32800, s5;
	s17 =	smul.u32 $0x4E000, s0;
	s23 =	sadd.s32 $0x138000, s2  }
0x9: {  	p0 =	sne.s32 s0, $0x0;
	s7 =	smul.u32 $0x2710, s6;
	_ =	strace $0x8000004A  }
0xa: {  	s8 =	ssub.s32 $0x2, s6;
	s11 =	smul.u32 $0x138800, s6;
	s23 =	sshrl.u32 @!p0 s23, $0x3  }
0xb: {  	s30 =	sshrl.u32 s29, $0x2;
	s31 =	sshrl.u32 s8, $0x1;
	s17 =	sshrl.u32 s17, $0x2  }
0xc: {  	s4 =	sadd.s32 s7, s4;
	s12 =	ssub.s32 s8, s31;
	s16 =	sadd.s32 s16, s11  }
0xd: {  	s11 =	sshrl.u32 s11, $0x3;
	s22 =	sadd.s32 s17, s2;
	s17 =	simm.s32 $0x18000  }
0xe: {  	s14 =	sshrl.u32 s4, $0x3;
	s4 =	sadd.s32 $0xB600, s5;
	s16 =	sshrl.u32 s16, $0x3  }
0xf: {  	s11 =	sadd.s32 s10, s11;
	s12 =	smax.u32 s12, $0x1;
	s22 =	sshrl.u32 s22, $0x3  }
0x10: {  	s15 =	sadd.s32 s14, s5;
	s5 =	sadd.s32 s30, s2;
	s10 =	sadd.s32 s10, s16  }
0x11: {  	s11 =	sadd.s32 $0x27000, s11;
	s13 =	sadd.s32 s14, s13;
	s16 =	simm.s32 $0x2  }
0x12: {  	s6 =	sadd.s32 $0x4000, s5;
	s7 =	sadd.s32 $0x8000, s5;
	s8 =	sadd.s32 $0xC000, s5  }
0x13: {  	v0 =	vimm.f32 $0.0e+00;
	s9 =	sadd.s32 $0x10000, s5;
	s14 =	sadd.s32 $0x1800, s15;
	s15 =	simm.s32 $0x14000  }
.LBB2_1:
0x14: {  	s25 =	sand.u32 $0xFE00, s3  }
0x15: {  	s26 =	sand.u32 $0x70, s3;
	s28 =	sshrl.u32 s25, $0x2  }
0x16: {  	s25 =	simm.s32 $0x40;
	s28 =	sor.u32 s26, s28;
	s26 =	simm.s32 $0x0  }
.LBB2_2:
0x17: {  	p1 =	sne.s32 s25, $0xFFC0  }
0x18: {  	[tilespmem:s28+$0x14000] =	vst v0;
	s26 =	sadd.s32 $0x10, s26;
	s28 =	smov.u32 s25;
	s25 =	sadd.s32 $0x40, s25  }
.Ltmp0:
0x19: {  	(pc) =	sbr.rel @p1 .LBB2_2-.Ltmp0, $4  }
0x1a: {  	_ = 	snop  }
0x1b: {  	s28 =	sand.u32 $0xFE00, s28  }
0x1c: {  	s29 =	sand.u32 $0x70, s26;
	s28 =	sshrl.u32 s28, $0x2  }
0x1d: {  	s28 =	sor.u32 s29, s28  }
0x1e: {  	[tilespmem:s28+$0x14000] =	vst v0  }
0x1f: {  	[spmem:s5] =	stream.linear.scatter [tilespmem:s15], [sflag:$0x2], $0x4000, $0x38;
	[tilespmem:$0x1A900] =	vst v63  }
0x20: {  	_ =	swait.ge [sflag:s16], $0x4000  }
0x21: {  	[sflag:s16] =	ssyncset.done $0x0  }
0x22: {  	[sflag:s16] =	ssyncadd.s32 $0xFFFFC000  }
0x23: {  	[spmem:s6] =	stream.linear.scatter [tilespmem:s15], [sflag:$0x2], $0x4000, $0x38;
	[tilespmem:$0x1A900] =	vst v63  }
0x24: {  	_ =	swait.ge [sflag:s16], $0x4000  }
0x25: {  	[sflag:s16] =	ssyncset.done $0x0  }
0x26: {  	[sflag:s16] =	ssyncadd.s32 $0xFFFFC000  }
0x27: {  	[spmem:s7] =	stream.linear.scatter [tilespmem:s15], [sflag:$0x2], $0x4000, $0x38;
	[tilespmem:$0x1A900] =	vst v63  }
0x28: {  	_ =	swait.ge [sflag:s16], $0x4000  }
0x29: {  	[sflag:s16] =	ssyncset.done $0x0  }
0x2a: {  	[sflag:s16] =	ssyncadd.s32 $0xFFFFC000  }
0x2b: {  	[spmem:s8] =	stream.linear.scatter [tilespmem:s15], [sflag:$0x2], $0x4000, $0x38;
	[tilespmem:$0x1A900] =	vst v63  }
0x2c: {  	_ =	swait.ge [sflag:s16], $0x4000  }
0x2d: {  	[sflag:s16] =	ssyncset.done $0x0  }
0x2e: {  	[sflag:s16] =	ssyncadd.s32 $0xFFFFC000  }
0x2f: {  	[spmem:s9] =	stream.linear.scatter [tilespmem:s15], [sflag:$0x2], $0x4000, $0x38;
	[tilespmem:$0x1A900] =	vst v63  }
0x30: {  	_ =	swait.ge [sflag:s16], $0x4000  }
0x31: {  	[sflag:s16] =	ssyncset.done $0x0  }
0x32: {  	[sflag:s16] =	ssyncadd.s32 $0xFFFFC000  }
0x33: {  	s25 =	sadd.s32 $0x0, s14;
	[bflag:$0x0] =	sbarrier.arrive $0xFFFF  }
0x34: {  	[tilespmem:s17], [sflag:$0x2] =	stream.linear.gather [hbm4b:s25+s3], $0x50, $0x38;
	[tilespmem:$0x1A900] =	vst v63  }
0x35: {  	_ =	swait.ge [sflag:s16], $0x50  }
0x36: {  	[sflag:s16] =	ssyncset.done $0x0  }
0x37: {  	s31 =	sadd.s32 $0x0, s13;
	[sflag:s16] =	ssyncadd.s32 $0xFFFFFFB0  }
0x38: {  	[tilespmem:s18], [sflag:$0x2] =	stream.linear.gather [hbm4b:s31+s3], $0x50, $0x38;
	[tilespmem:$0x1A900] =	vst v63  }
0x39: {  	_ =	swait.ge [sflag:s16], $0x50  }
0x3a: {  	[sflag:s16] =	ssyncset.done $0x0  }
0x3b: {  	[sflag:s16] =	ssyncadd.s32 $0xFFFFFFB0  }
0x3c: {  	[tilespmem:s20], [sflag:$0x1] =	stream.indirect.gather [hbm4b:s4+s19], $0x80, s17, s19, $0xb8;
	[tilespmem:$0x1A900] =	vst v63  }
0x3d: {  	_ =	swait.ge [sflag:s21], $0x2800  }
0x3e: {  	[sflag:s21] =	ssyncset.done $0x0  }
0x3f: {  	[sflag:s21] =	ssyncadd.s32 $0xFFFFD800  }
0x40: {  	[spmem:s2] =	stream.indirect.scatter.add.f32 [tilespmem:s20], [sflag:$0x2], $0x80, s18, s19, $0xb8;
	[tilespmem:$0x1A900] =	vst v63  }
0x41: {  	_ =	swait.ge [sflag:s16], $0x2800  }
0x42: {  	s26 =	simm.s32 $0x14;
	s25 =	simm.s32 $0xA;
	[sflag:s16] =	ssyncset.done $0x0  }
.LBB2_4:
0x43: {  	s28 =	sadd.s32 s25, s14  }
0x44: {  	[sflag:s16] =	ssyncadd.s32 $0xFFFFD800;
	s29 =	smov.u32 s26;
	s30 =	sadd.s32 $0xA, s26  }
0x45: {  	[tilespmem:s17], [sflag:$0x2] =	stream.linear.gather [hbm4b:s28+s3], $0x50, $0x38;
	[tilespmem:$0x1A900] =	vst v63  }
0x46: {  	p1 =	sne.s32 s26, $0x4D8;
	_ =	swait.ge [sflag:s16], $0x50  }
0x47: {  	[sflag:s16] =	ssyncset.done $0x0  }
0x48: {  	s26 =	sadd.s32 s25, s13;
	s25 =	smov.u32 s29;
	[sflag:s16] =	ssyncadd.s32 $0xFFFFFFB0  }
0x49: {  	[tilespmem:s18], [sflag:$0x2] =	stream.linear.gather [hbm4b:s26+s3], $0x50, $0x38;
	[tilespmem:$0x1A900] =	vst v63  }
0x4a: {  	_ =	swait.ge [sflag:s16], $0x50  }
0x4b: {  	[sflag:s16] =	ssyncset.done $0x0  }
0x4c: {  	[sflag:s16] =	ssyncadd.s32 $0xFFFFFFB0  }
0x4d: {  	[tilespmem:s20], [sflag:$0x1] =	stream.indirect.gather [hbm4b:s4+s19], $0x80, s17, s19, $0xb8;
	[tilespmem:$0x1A900] =	vst v63  }
0x4e: {  	_ =	swait.ge [sflag:s21], $0x2800  }
.Ltmp1:
0x4f: {  	[sflag:s21] =	ssyncset.done $0x0;
	(pc) =	sbr.rel @p1 .LBB2_4-.Ltmp1, $4  }
0x50: {  	[sflag:s21] =	ssyncadd.s32 $0xFFFFD800  }
0x51: {  	[spmem:s2] =	stream.indirect.scatter.add.f32 [tilespmem:s20], [sflag:$0x2], $0x80, s18, s19, $0xb8;
	[tilespmem:$0x1A900] =	vst v63  }
0x52: {  	_ =	swait.ge [sflag:s16], $0x2800  }
0x53: {  	s26 =	smov.u32 s30;
	[sflag:s16] =	ssyncset.done $0x0  }
0x54: {  	s26 =	sadd.s32 s25, s14;
	[sflag:s16] =	ssyncadd.s32 $0xFFFFD800  }
0x55: {  	[tilespmem:s17], [sflag:$0x2] =	stream.linear.gather [hbm4b:s26+s3], $0x50, $0x38;
	[tilespmem:$0x1A900] =	vst v63  }
0x56: {  	_ =	swait.ge [sflag:s16], $0x50  }
0x57: {  	[sflag:s16] =	ssyncset.done $0x0  }
0x58: {  	s30 =	sadd.s32 s25, s13;
	[sflag:s16] =	ssyncadd.s32 $0xFFFFFFB0  }
0x59: {  	[tilespmem:s18], [sflag:$0x2] =	stream.linear.gather [hbm4b:s30+s3], $0x50, $0x38;
	[tilespmem:$0x1A900] =	vst v63  }
0x5a: {  	_ =	swait.ge [sflag:s16], $0x50  }
0x5b: {  	[sflag:s16] =	ssyncset.done $0x0  }
0x5c: {  	[sflag:s16] =	ssyncadd.s32 $0xFFFFFFB0  }
0x5d: {  	[tilespmem:s20], [sflag:$0x1] =	stream.indirect.gather [hbm4b:s4+s19], $0x80, s17, s19, $0xb8;
	[tilespmem:$0x1A900] =	vst v63  }
0x5e: {  	_ =	swait.ge [sflag:s21], $0x2800  }
0x5f: {  	[sflag:s21] =	ssyncset.done $0x0  }
0x60: {  	[sflag:s21] =	ssyncadd.s32 $0xFFFFD800  }
0x61: {  	[spmem:s2] =	stream.indirect.scatter.add.f32 [tilespmem:s20], [sflag:$0x2], $0x80, s18, s19, $0xb8;
	[tilespmem:$0x1A900] =	vst v63  }
0x62: {  	_ =	swait.ge [sflag:s16], $0x2800  }
0x63: {  	[sflag:s16] =	ssyncset.done $0x0  }
0x64: {  	s31 =	sshll.u32 s0, $0x6;
	[sflag:s16] =	ssyncadd.s32 $0xFFFFD800  }
0x65: {  	s25 =	sor.u32 $0x1C02, s31;
	[bflag:$0x0] =	sbarrier.arrive $0xFFFF  }
0x66: {  	[hbm:s10], [sflag:s25] =	dma.local [spmem:s22], $0x2700  }
0x67: {  	_ =	swait.ge [sflag:s16], $0x2700  }
0x68: {  	s24 =	sadd.s32 $0x1, s24;
	[sflag:s16] =	ssyncset.done $0x0  }
0x69: {  	p1 =	sne.s32 s24, s12;
	[sflag:s16] =	ssyncadd.s32 $0xFFFFD900  }
0x6a: {  	[hbm:s11], [sflag:s25] =	dma.local @!p0 [spmem:s23], $0x100  }
.Ltmp2:
0x6b: {  	_ = 	snop;
	(pc) =	sbr.rel @p1 .LBB2_1-.Ltmp2, $4  }
0x6c: {  	s25 =	simm.s32 @!p0 $0x2  }
0x6d: {  	_ =	swait.ge @!p0 [sflag:s25], $0x100  }
0x6e: {  	[sflag:s25] =	ssyncset.done @!p0 $0x0  }
0x6f: {  	[sflag:s25] =	ssyncadd.s32 @!p0 $0xFFFFFF00  }
0x70: {  	_ =	sfence.sel $0x180000  }
0x71: {  	[bflag:$0x0] =	sbarrier.arrive $0xFFFF  }
0x72: {  	_ =	strace $0x9000004A  }
0x73: {  	s0 =	sadd.s32 @!p0 $0x100000, s1;
	[bflag:$0x2] =	sbarrier.arrive $0xFFFF  }
0x74: {  	[sflag:s0] =	ssyncadd.tile.s32 @!p0 $0x1;
	_ =	shalt  }
.Lfunc_end2:
_tile_overlayer_lowered:
.L_overlay_start_2:
0x75: {  	(tag) =	ssettag $0x2  }
0x76: {  	s0 =	rddreg [dreg:$0x0];
	s2 =	stileid.u32  }
0x77: {  	s1 =	rddreg [dreg:$0x1];
	p0 =	sne.s32 s2, $0x0  }
0x78: {  	s3 =	rddreg [dreg:$0x2];
	[bflag:$0x3] =	sbarrier.arrive $0xFFFF;
	s2 =	simm.s32 @!p0 $0x1C02  }
0x79: {  	[timem:s3], [sflag:s2] =	dma.local @!p0 [hbm:s0], s1  }
0x7a: {  	s0 =	simm.s32 @!p0 $0x2  }
0x7b: {  	_ =	swait.ge @!p0 [sflag:s0], s1  }
0x7c: {  	s1 =	ssub.s32 @!p0 $0x0, s1;
	[sflag:s0] =	ssyncset.done @!p0 $0x0  }
0x7d: {  	[sflag:s0] =	ssyncadd.s32 @!p0 s1  }
0x7e: {  	[bflag:$0x3] =	sbarrier.arrive $0xFFFF  }
0x7f: {  	_ =	shalt  }

// kernel: kernel.15.cloned.1.call-start
scs
__scs_entry_jumppad:
0x0: {  	(pc) =	sbr.rel $0x88, $3  }
0x1: {  	(tag) =	ssettag $0x0;
	lr =	simm.s32 $0x1  }
0x2: {  	[smem:$0x3F99] =	sst lr;
	_ =	strace $0xD0000000  }
0x3: {  	_ = 	snop  }
0x4: {  	_ = 	snop  }
0x5: {  	_ = 	snop  }
0x6: {  	_ = 	snop  }
0x7: {  	_ = 	snop  }
__scs_overlays_trampoline_lowered:
0x8: {  	[smem:$0x3FA8] =	sst s0  }
0x9: {  	[smem:$0x3FA9] =	sst s1  }
0xa: {  	[smem:$0x3FAA] =	sst s2  }
0xb: {  	[smem:$0x3FAB] =	sst s3  }
0xc: {  	[smem:$0x3FAC] =	sst s4  }
0xd: {  	[smem:$0x3FAD] =	sst s5  }
0xe: {  	[smem:$0x3FAE] =	sst s6  }
0xf: {  	[smem:$0x3FAF] =	sst s7  }
0x10: {  	[smem:$0x3FB0] =	sst s8  }
0x11: {  	[smem:$0x3FB1] =	sst s9;
	s0 =	simm.s32 @!p0 $0x0  }
0x12: {  	s1 =	sld [smem:$0x3F97];
	s0 =	simm.s32 @p0 $0x1  }
0x13: {  	[smem:$0x3FB2] =	sst s0;
	s0 =	simm.s32 @!p1 $0x0  }
0x14: {  	s2 =	sld [smem:$0x3F96];
	s0 =	simm.s32 @p1 $0x1  }
0x15: {  	[smem:$0x3FB3] =	sst s0;
	s0 =	simm.s32 @!p2 $0x0  }
0x16: {  	s3 =	sld [smem:$0x3FDB];
	s0 =	simm.s32 @p2 $0x1  }
0x17: {  	s4 =	simm.s32 $0x1BF5;
	[smem:$0x3FB5] =	sst s0  }
0x18: {  	s0 =	sld [smem:$0x3F98];
	_ =	swait.ge [sflag:s4], $0x0  }
0x19: {  	s7 =	sld [smem:$0x3F99]  }
0x1a: {  	s8 =	sadd.s32 $0xFFFFE003, lr  }
0x1b: {  	s9 =	sadd.s32 $0xFFFFFEF7, lr;
	s5 =	simm.s32 $0xFFFFFFFF;
	p2 =	slt.u32 s8, $0xFFFFF086  }
0x1c: {  	p1 =	slt.u32 s9, $0xF7A;
	s5 =	simm.s32 @!p2 $0x0  }
0x1d: {  	s5 =	simm.s32 @p1 $0x1;
	p0 =	seq.s32 s7, s2  }
0x1e: {  	s7 =	smul.u32 @!p0 $0xF7A, s2;
	p2 =	seq.s32 @!p0 s5, $0x0  }
0x1f: {  	s9 =	smul.u32 $0xF7A, s1;
	s8 =	simm.s32 @!p0 $0x1BF5;
	p2 =	por !p2, p0  }
0x20: {  	[sflag:s8] =	ssyncset.s32 @!p0 $0xFFFFF086;
	s6 =	sadd.s32 @!p0 s3, s7;
	s7 =	simm.s32 @!p0 $0x108  }
0x21: {  	s3 =	sadd.s32 s3, s9;
	s6 =	sadd.s32 @!p0 $0x88, s6;
	s7 =	simm.s32 @p2 $0x1082  }
0x22: {  	[simem:s7], [sflag:s8] =	dma.local @!p0 [hbm:s6], $0xF7A  }
0x23: {  	s9 =	sor.u32 $0xD0000000, s2;
	s6 =	simm.s32 $0x108;
	_ =	swait.ge @!p0 [sflag:s8], $0x0  }
0x24: {  	s3 =	sadd.s32 $0x88, s3;
	s6 =	simm.s32 @!p1 $0x1082;
	[sflag:s4] =	ssyncset.s32 $0xFFFFF086  }
0x25: {  	[simem:s6], [sflag:s4] =	dma.local [hbm:s3], $0xF7A  }
0x26: {  	[smem:$0x3F99] =	sst s1;
	(tag) =	ssettag s2;
	_ =	strace s9  }
0x27: {  	s1 =	sld [smem:$0x3FA9]  }
0x28: {  	s2 =	sld [smem:$0x3FAA]  }
0x29: {  	s4 =	sld [smem:$0x3FAC]  }
0x2a: {  	p0 =	seq.s32 s5, $0x0;
	s5 =	sld [smem:$0x3FAD]  }
0x2b: {  	s6 =	sld [smem:$0x3FAE]  }
0x2c: {  	s7 =	sld [smem:$0x3FAF]  }
0x2d: {  	s3 =	simm.s32 $0x108;
	s8 =	sld [smem:$0x3FB0]  }
0x2e: {  	s3 =	simm.s32 @!p0 $0x1082;
	s9 =	sld [smem:$0x3FB1]  }
0x2f: {  	lr =	sadd.s32 s0, s3;
	s0 =	sld [smem:$0x3FA8]  }
0x30: {  	s3 =	sld [smem:$0x3FAB]  }
0x31: {  	[smem:$0x3FB4] =	sst s10  }
0x32: {  	s10 =	sld [smem:$0x3FB2];
	_ =	sdelay $0x3  }
0x33: {  	p0 =	seq.s32 s10, $0x1;
	s10 =	sld [smem:$0x3FB4];
	_ =	sdelay $0x3  }
0x34: {  	[smem:$0x3FB4] =	sst s10  }
0x35: {  	s10 =	sld [smem:$0x3FB3];
	_ =	sdelay $0x3  }
0x36: {  	p1 =	seq.s32 s10, $0x1;
	s10 =	sld [smem:$0x3FB4];
	_ =	sdelay $0x3  }
0x37: {  	[smem:$0x3FB4] =	sst s10  }
0x38: {  	s10 =	sld [smem:$0x3FB5]  }
0x39: {  	_ = 	snop;
	(pc) =	sbr.ind lr, $3  }
0x3a: {  	_ = 	snop  }
0x3b: {  	_ = 	snop  }
0x3c: {  	p2 =	seq.s32 s10, $0x1;
	s10 =	sld [smem:$0x3FB4]  }
0x3d: {  	_ =	shalt  }
0x3e: {  	_ =	shalt  }
0x3f: {  	_ =	shalt  }
0x40: {  	_ =	shalt  }
0x41: {  	_ =	shalt  }
0x42: {  	_ =	shalt  }
0x43: {  	_ =	shalt  }
0x44: {  	_ =	shalt  }
0x45: {  	_ =	shalt  }
0x46: {  	_ =	shalt  }
0x47: {  	_ =	shalt  }
0x48: {  	_ =	shalt  }
0x49: {  	_ =	shalt  }
0x4a: {  	_ =	shalt  }
0x4b: {  	_ =	shalt  }
0x4c: {  	_ =	shalt  }
0x4d: {  	_ =	shalt  }
0x4e: {  	_ =	shalt  }
0x4f: {  	_ =	shalt  }
0x50: {  	_ =	shalt  }
0x51: {  	_ =	shalt  }
0x52: {  	_ =	shalt  }
0x53: {  	_ =	shalt  }
0x54: {  	_ =	shalt  }
0x55: {  	_ =	shalt  }
0x56: {  	_ =	shalt  }
0x57: {  	_ =	shalt  }
0x58: {  	_ =	shalt  }
0x59: {  	_ =	shalt  }
0x5a: {  	_ =	shalt  }
0x5b: {  	_ =	shalt  }
0x5c: {  	_ =	shalt  }
0x5d: {  	_ =	shalt  }
0x5e: {  	_ =	shalt  }
0x5f: {  	_ =	shalt  }
0x60: {  	_ =	shalt  }
0x61: {  	_ =	shalt  }
0x62: {  	_ =	shalt  }
0x63: {  	_ =	shalt  }
0x64: {  	_ =	shalt  }
0x65: {  	_ =	shalt  }
0x66: {  	_ =	shalt  }
0x67: {  	_ =	shalt  }
0x68: {  	_ =	shalt  }
0x69: {  	_ =	shalt  }
0x6a: {  	_ =	shalt  }
0x6b: {  	_ =	shalt  }
0x6c: {  	_ =	shalt  }
0x6d: {  	_ =	shalt  }
0x6e: {  	_ =	shalt  }
0x6f: {  	_ =	shalt  }
0x70: {  	_ =	shalt  }
0x71: {  	_ =	shalt  }
0x72: {  	_ =	shalt  }
0x73: {  	_ =	shalt  }
0x74: {  	_ =	shalt  }
0x75: {  	_ =	shalt  }
0x76: {  	_ =	shalt  }
0x77: {  	_ =	shalt  }
0x78: {  	_ =	shalt  }
0x79: {  	_ =	shalt  }
0x7a: {  	_ =	shalt  }
0x7b: {  	_ =	shalt  }
0x7c: {  	_ =	shalt  }
0x7d: {  	_ =	shalt  }
0x7e: {  	_ =	shalt  }
0x7f: {  	_ =	shalt  }
0x80: {  	_ =	shalt  }
0x81: {  	_ =	shalt  }
0x82: {  	_ =	shalt  }
0x83: {  	_ =	shalt  }
0x84: {  	_ =	shalt  }
0x85: {  	_ =	shalt  }
0x86: {  	_ =	shalt  }
0x87: {  	_ =	shalt  }
.Lfunc_end0:
.L_simem_size_0:
called_computation.2_lowered:
.L_overlay_start_0:
0x88: {  	s2 =	sld [smem:$0x3FD9]  }
0x89: {  	s3 =	sld [smem:$0x3FFE];
	_ =	sdelay $0x1  }
0x8a: {  	s1 =	srdreg.scid  }
0x8b: {  	s0 =	sand.u32 $0x1, s1  }
0x8c: {  	s17 =	sshll.u32 s0, $0xA;
	s2 =	sadd.s32 s3, s2  }
0x8d: {  	s2 =	sadd.s32 s2, s17  }
0x8e: {  	[smem:$0x3FC0] =	sst s2  }
0x8f: {  	_ = 	snop  }
0x90: {  	s2 =	sld [smem:$0x3FD0];
	(tm) =	ssettm $0x1  }
0x91: {  	s18 =	sld [smem:$0x3FFB];
	_ =	sdelay $0x3  }
0x92: {  	_ =	strace s18  }
0x93: {  	s3 =	sld [smem:$0x3FFC];
	_ =	sdelay $0x3  }
0x94: {  	_ =	strace s3  }
0x95: {  	s3 =	sld [smem:$0x3FFD];
	_ =	sdelay $0x3  }
0x96: {  	_ =	strace s3  }
0x97: {  	_ =	strace $0x8FFFFFFF  }
0x98: {  	s19 =	sld [smem:$0x3FDB];
	_ =	sdelay $0x1  }
0x99: {  	s4 =	simm.s32 $_scs_section_size  }
0x9a: {  	s5 =	simm.s32 $_size__tile_overlayer_lowered;
	s6 =	simm.s32 $_tile_overlayer_lowered  }
0x9b: {  	s22 =	simm.s32 $0x1BFF;
	s21 =	sshll.u32 s6, $0x1;
	s3 =	sadd.s32 s4, s19  }
0x9c: {  	s7 =	simm.s32 $0x0;
	s20 =	sshll.u32 s5, $0x1;
	s5 =	sadd.s32 s21, s3  }
0x9d: {  	[timem:s7], [sflag:s22] =	dma.local [hbm:s5], s20  }
0x9e: {  	_ =	swait.ge [sflag:s22], s20  }
0x9f: {  	s4 =	ssub.s32 $0x0, s20;
	[sflag:s22] =	ssyncset.done $0x0  }
0xa0: {  	[sflag:s22] =	ssyncadd.s32 s4;
	_ =	sdelay $0x1  }
0xa1: {  	s23 =	simm.s32 $0x1B8B  }
0xa2: {  	_ =	swait.ge [sflag:s23], $0x1  }
0xa3: {  	[sflag:s23] =	ssyncset.done $0x0  }
0xa4: {  	s25 =	simm.s32 $0x1B8E;
	s24 =	sld [smem:$0x3FFE];
	[sflag:s23] =	ssyncadd.s32 $0xFFFFFFFF  }
0xa5: {  	s26 =	simm.s32 $execute0_lowered;
	[smem:$0x3FD2] =	sst s25  }
0xa6: {  	s5 =	sshll.u32 s26, $0x1;
	_ =	strace $0x8000004C;
	[dreg:$0x1] =	wrdreg $0xFFFFFFFF  }
0xa7: {  	s28 =	simm.s32 $_size_execute0_lowered;
	s3 =	sadd.s32 s3, s5;
	[dreg:$0x0] =	wrdreg $0x0  }
0xa8: {  	s5 =	sshll.u32 s28, $0x1;
	[dreg:$0x2] =	wrdreg s3  }
0xa9: {  	[dreg:$0x3] =	wrdreg s5  }
0xaa: {  	[dreg:$0x4] =	wrdreg $0xC0  }
0xab: {  	_ =	task [dreg:s7], $0x5FFFF  }
0xac: {  	[dreg:$0x1] =	wrdreg $0xFFFFFFFF  }
0xad: {  	[dreg:$0x0] =	wrdreg $0x60  }
0xae: {  	[dreg:$0x2] =	wrdreg s24  }
0xaf: {  	[dreg:$0x3] =	wrdreg s2  }
0xb0: {  	[dreg:$0x4] =	wrdreg $0x0  }
0xb1: {  	[dreg:$0x5] =	wrdreg $0x9  }
0xb2: {  	_ =	task.clear_ibuf [dreg:s7], $0x6FFFF;
	_ =	strace $0x9000004C  }
0xb3: {  	s29 =	simm.s32 $0x9;
	_ =	strace $0x8000004E  }
0xb4: {  	_ =	swait.ge [sflag:s29], $0x1  }
0xb5: {  	[sflag:s29] =	ssyncadd.s32 $0xFFFFFFFF  }
0xb6: {  	_ =	strace $0x9000004E  }
0xb7: {  	_ =	sfence  }
0xb8: {  	s30 =	sld [smem:$0x0];
	_ =	sdelay $0x2  }
0xb9: {  	s31 =	sshll.u32 s1, $0xD;
	s1 =	sshrl.u32 s1, $0x2  }
0xba: {  	s3 =	sand.u32 $0x4000, s31;
	s1 =	sadd.s32 s1, s30  }
0xbb: {  	s0 =	sor.u32 s3, s0;
	s1 =	sshll.u32 s1, $0x11  }
0xbc: {  	s0 =	sor.u32 s1, s0  }
0xbd: {  	s0 =	sadd.s32 $0x8F2B, s0  }
0xbe: {  	[sflag:s0] =	ssyncadd.remote.s32 $0x1  }
0xbf: {  	_ =	sfence.sel $0xFFFF  }
0xc0: {  	[dreg:$0x0] =	wrdreg $0xFFFFFFFF;
	(pc) =	sbr.abs _section_cstart, $3  }
0xc1: {  	[dreg:$0x1] =	wrdreg $0xFFFFFFFF  }
0xc2: {  	_ =	task.clear_ibuf [dreg:s7], $0x2FFFF;
	_ =	strace $0x9FFFFFFF  }
0xc3: {  	(tm) =	ssettm $0x7FFFFFFF  }
tec
execute0_lowered:
.L_overlay_start_1:
0x0: {  	(tag) =	ssettag $0x1  }
0x1: {  	s5 =	rddreg [dreg:$0x0]  }
0x2: {  	s1 =	srdreg.scid;
	s13 =	rddreg [dreg:$0x1]  }
0x3: {  	s0 =	stileid.u32;
	s2 =	rddreg [dreg:$0x2]  }
0x4: {  	s3 =	simm.s32 $0x0;
	s18 =	simm.s32 $0x18080;
	s19 =	simm.s32 $0x50  }
0x5: {  	s20 =	simm.s32 $0x18100;
	s21 =	simm.s32 $0x1;
	s4 =	smul.u32 $0x4E20, s0  }
0x6: {  	s6 =	sand.u32 $0x1, s1;
	s1 =	rddreg [dreg:$0x3];
	s29 =	smul.u32 $0x50000, s0  }
0x7: {  	s24 =	simm.s32 $0x0;
	[smem:$0x7FF] =	sst s3;
	s16 =	smul.u32 $0x13800, s0  }
0x8: {  	s10 =	sadd.s32 $0x32800, s5;
	s17 =	smul.u32 $0x4E000, s0;
	s23 =	sadd.s32 $0x138000, s2  }
0x9: {  	p0 =	sne.s32 s0, $0x0;
	s7 =	smul.u32 $0x2710, s6;
	_ =	strace $0x8000004D  }
0xa: {  	s8 =	ssub.s32 $0x2, s6;
	s11 =	smul.u32 $0x138800, s6;
	s23 =	sshrl.u32 @!p0 s23, $0x3  }
0xb: {  	s30 =	sshrl.u32 s29, $0x2;
	s31 =	sshrl.u32 s8, $0x1;
	s17 =	sshrl.u32 s17, $0x2  }
0xc: {  	s4 =	sadd.s32 s7, s4;
	s12 =	ssub.s32 s8, s31;
	s16 =	sadd.s32 s16, s11  }
0xd: {  	s11 =	sshrl.u32 s11, $0x3;
	s22 =	sadd.s32 s17, s2;
	s17 =	simm.s32 $0x18000  }
0xe: {  	s14 =	sshrl.u32 s4, $0x3;
	s4 =	sadd.s32 $0xB600, s5;
	s16 =	sshrl.u32 s16, $0x3  }
0xf: {  	s11 =	sadd.s32 s10, s11;
	s12 =	smax.u32 s12, $0x1;
	s22 =	sshrl.u32 s22, $0x3  }
0x10: {  	s15 =	sadd.s32 s14, s5;
	s5 =	sadd.s32 s30, s2;
	s10 =	sadd.s32 s10, s16  }
0x11: {  	s11 =	sadd.s32 $0x27000, s11;
	s13 =	sadd.s32 s14, s13;
	s16 =	simm.s32 $0x2  }
0x12: {  	s6 =	sadd.s32 $0x4000, s5;
	s7 =	sadd.s32 $0x8000, s5;
	s8 =	sadd.s32 $0xC000, s5  }
0x13: {  	v0 =	vimm.f32 $0.0e+00;
	s9 =	sadd.s32 $0x10000, s5;
	s14 =	sadd.s32 $0x1800, s15;
	s15 =	simm.s32 $0x14000  }
.LBB2_1:
0x14: {  	s25 =	sand.u32 $0xFE00, s3  }
0x15: {  	s26 =	sand.u32 $0x70, s3;
	s28 =	sshrl.u32 s25, $0x2  }
0x16: {  	s25 =	simm.s32 $0x40;
	s28 =	sor.u32 s26, s28;
	s26 =	simm.s32 $0x0  }
.LBB2_2:
0x17: {  	p1 =	sne.s32 s25, $0xFFC0  }
0x18: {  	[tilespmem:s28+$0x14000] =	vst v0;
	s26 =	sadd.s32 $0x10, s26;
	s28 =	smov.u32 s25;
	s25 =	sadd.s32 $0x40, s25  }
.Ltmp0:
0x19: {  	(pc) =	sbr.rel @p1 .LBB2_2-.Ltmp0, $4  }
0x1a: {  	_ = 	snop  }
0x1b: {  	s28 =	sand.u32 $0xFE00, s28  }
0x1c: {  	s29 =	sand.u32 $0x70, s26;
	s28 =	sshrl.u32 s28, $0x2  }
0x1d: {  	s28 =	sor.u32 s29, s28  }
0x1e: {  	[tilespmem:s28+$0x14000] =	vst v0  }
0x1f: {  	[spmem:s5] =	stream.linear.scatter [tilespmem:s15], [sflag:$0x2], $0x4000, $0x38;
	[tilespmem:$0x1A900] =	vst v63  }
0x20: {  	_ =	swait.ge [sflag:s16], $0x4000  }
0x21: {  	[sflag:s16] =	ssyncset.done $0x0  }
0x22: {  	[sflag:s16] =	ssyncadd.s32 $0xFFFFC000  }
0x23: {  	[spmem:s6] =	stream.linear.scatter [tilespmem:s15], [sflag:$0x2], $0x4000, $0x38;
	[tilespmem:$0x1A900] =	vst v63  }
0x24: {  	_ =	swait.ge [sflag:s16], $0x4000  }
0x25: {  	[sflag:s16] =	ssyncset.done $0x0  }
0x26: {  	[sflag:s16] =	ssyncadd.s32 $0xFFFFC000  }
0x27: {  	[spmem:s7] =	stream.linear.scatter [tilespmem:s15], [sflag:$0x2], $0x4000, $0x38;
	[tilespmem:$0x1A900] =	vst v63  }
0x28: {  	_ =	swait.ge [sflag:s16], $0x4000  }
0x29: {  	[sflag:s16] =	ssyncset.done $0x0  }
0x2a: {  	[sflag:s16] =	ssyncadd.s32 $0xFFFFC000  }
0x2b: {  	[spmem:s8] =	stream.linear.scatter [tilespmem:s15], [sflag:$0x2], $0x4000, $0x38;
	[tilespmem:$0x1A900] =	vst v63  }
0x2c: {  	_ =	swait.ge [sflag:s16], $0x4000  }
0x2d: {  	[sflag:s16] =	ssyncset.done $0x0  }
0x2e: {  	[sflag:s16] =	ssyncadd.s32 $0xFFFFC000  }
0x2f: {  	[spmem:s9] =	stream.linear.scatter [tilespmem:s15], [sflag:$0x2], $0x4000, $0x38;
	[tilespmem:$0x1A900] =	vst v63  }
0x30: {  	_ =	swait.ge [sflag:s16], $0x4000  }
0x31: {  	[sflag:s16] =	ssyncset.done $0x0  }
0x32: {  	[sflag:s16] =	ssyncadd.s32 $0xFFFFC000  }
0x33: {  	s25 =	sadd.s32 $0x0, s14;
	[bflag:$0x0] =	sbarrier.arrive $0xFFFF  }
0x34: {  	[tilespmem:s17], [sflag:$0x2] =	stream.linear.gather [hbm4b:s25+s3], $0x50, $0x38;
	[tilespmem:$0x1A900] =	vst v63  }
0x35: {  	_ =	swait.ge [sflag:s16], $0x50  }
0x36: {  	[sflag:s16] =	ssyncset.done $0x0  }
0x37: {  	s31 =	sadd.s32 $0x0, s13;
	[sflag:s16] =	ssyncadd.s32 $0xFFFFFFB0  }
0x38: {  	[tilespmem:s18], [sflag:$0x2] =	stream.linear.gather [hbm4b:s31+s3], $0x50, $0x38;
	[tilespmem:$0x1A900] =	vst v63  }
0x39: {  	_ =	swait.ge [sflag:s16], $0x50  }
0x3a: {  	[sflag:s16] =	ssyncset.done $0x0  }
0x3b: {  	[sflag:s16] =	ssyncadd.s32 $0xFFFFFFB0  }
0x3c: {  	[tilespmem:s20], [sflag:$0x1] =	stream.indirect.gather [hbm4b:s4+s19], $0x80, s17, s19, $0xb8;
	[tilespmem:$0x1A900] =	vst v63  }
0x3d: {  	_ =	swait.ge [sflag:s21], $0x2800  }
0x3e: {  	[sflag:s21] =	ssyncset.done $0x0  }
0x3f: {  	[sflag:s21] =	ssyncadd.s32 $0xFFFFD800  }
0x40: {  	[spmem:s2] =	stream.indirect.scatter.add.f32 [tilespmem:s20], [sflag:$0x2], $0x80, s18, s19, $0xb8;
	[tilespmem:$0x1A900] =	vst v63  }
0x41: {  	_ =	swait.ge [sflag:s16], $0x2800  }
0x42: {  	s26 =	simm.s32 $0x14;
	s25 =	simm.s32 $0xA;
	[sflag:s16] =	ssyncset.done $0x0  }
.LBB2_4:
0x43: {  	s28 =	sadd.s32 s25, s14  }
0x44: {  	[sflag:s16] =	ssyncadd.s32 $0xFFFFD800;
	s29 =	smov.u32 s26;
	s30 =	sadd.s32 $0xA, s26  }
0x45: {  	[tilespmem:s17], [sflag:$0x2] =	stream.linear.gather [hbm4b:s28+s3], $0x50, $0x38;
	[tilespmem:$0x1A900] =	vst v63  }
0x46: {  	p1 =	sne.s32 s26, $0x4D8;
	_ =	swait.ge [sflag:s16], $0x50  }
0x47: {  	[sflag:s16] =	ssyncset.done $0x0  }
0x48: {  	s26 =	sadd.s32 s25, s13;
	s25 =	smov.u32 s29;
	[sflag:s16] =	ssyncadd.s32 $0xFFFFFFB0  }
0x49: {  	[tilespmem:s18], [sflag:$0x2] =	stream.linear.gather [hbm4b:s26+s3], $0x50, $0x38;
	[tilespmem:$0x1A900] =	vst v63  }
0x4a: {  	_ =	swait.ge [sflag:s16], $0x50  }
0x4b: {  	[sflag:s16] =	ssyncset.done $0x0  }
0x4c: {  	[sflag:s16] =	ssyncadd.s32 $0xFFFFFFB0  }
0x4d: {  	[tilespmem:s20], [sflag:$0x1] =	stream.indirect.gather [hbm4b:s4+s19], $0x80, s17, s19, $0xb8;
	[tilespmem:$0x1A900] =	vst v63  }
0x4e: {  	_ =	swait.ge [sflag:s21], $0x2800  }
.Ltmp1:
0x4f: {  	[sflag:s21] =	ssyncset.done $0x0;
	(pc) =	sbr.rel @p1 .LBB2_4-.Ltmp1, $4  }
0x50: {  	[sflag:s21] =	ssyncadd.s32 $0xFFFFD800  }
0x51: {  	[spmem:s2] =	stream.indirect.scatter.add.f32 [tilespmem:s20], [sflag:$0x2], $0x80, s18, s19, $0xb8;
	[tilespmem:$0x1A900] =	vst v63  }
0x52: {  	_ =	swait.ge [sflag:s16], $0x2800  }
0x53: {  	s26 =	smov.u32 s30;
	[sflag:s16] =	ssyncset.done $0x0  }
0x54: {  	s26 =	sadd.s32 s25, s14;
	[sflag:s16] =	ssyncadd.s32 $0xFFFFD800  }
0x55: {  	[tilespmem:s17], [sflag:$0x2] =	stream.linear.gather [hbm4b:s26+s3], $0x50, $0x38;
	[tilespmem:$0x1A900] =	vst v63  }
0x56: {  	_ =	swait.ge [sflag:s16], $0x50  }
0x57: {  	[sflag:s16] =	ssyncset.done $0x0  }
0x58: {  	s30 =	sadd.s32 s25, s13;
	[sflag:s16] =	ssyncadd.s32 $0xFFFFFFB0  }
0x59: {  	[tilespmem:s18], [sflag:$0x2] =	stream.linear.gather [hbm4b:s30+s3], $0x50, $0x38;
	[tilespmem:$0x1A900] =	vst v63  }
0x5a: {  	_ =	swait.ge [sflag:s16], $0x50  }
0x5b: {  	[sflag:s16] =	ssyncset.done $0x0  }
0x5c: {  	[sflag:s16] =	ssyncadd.s32 $0xFFFFFFB0  }
0x5d: {  	[tilespmem:s20], [sflag:$0x1] =	stream.indirect.gather [hbm4b:s4+s19], $0x80, s17, s19, $0xb8;
	[tilespmem:$0x1A900] =	vst v63  }
0x5e: {  	_ =	swait.ge [sflag:s21], $0x2800  }
0x5f: {  	[sflag:s21] =	ssyncset.done $0x0  }
0x60: {  	[sflag:s21] =	ssyncadd.s32 $0xFFFFD800  }
0x61: {  	[spmem:s2] =	stream.indirect.scatter.add.f32 [tilespmem:s20], [sflag:$0x2], $0x80, s18, s19, $0xb8;
	[tilespmem:$0x1A900] =	vst v63  }
0x62: {  	_ =	swait.ge [sflag:s16], $0x2800  }
0x63: {  	[sflag:s16] =	ssyncset.done $0x0  }
0x64: {  	s31 =	sshll.u32 s0, $0x6;
	[sflag:s16] =	ssyncadd.s32 $0xFFFFD800  }
0x65: {  	s25 =	sor.u32 $0x1C02, s31;
	[bflag:$0x0] =	sbarrier.arrive $0xFFFF  }
0x66: {  	[hbm:s10], [sflag:s25] =	dma.local [spmem:s22], $0x2700  }
0x67: {  	_ =	swait.ge [sflag:s16], $0x2700  }
0x68: {  	s24 =	sadd.s32 $0x1, s24;
	[sflag:s16] =	ssyncset.done $0x0  }
0x69: {  	p1 =	sne.s32 s24, s12;
	[sflag:s16] =	ssyncadd.s32 $0xFFFFD900  }
0x6a: {  	[hbm:s11], [sflag:s25] =	dma.local @!p0 [spmem:s23], $0x100  }
.Ltmp2:
0x6b: {  	_ = 	snop;
	(pc) =	sbr.rel @p1 .LBB2_1-.Ltmp2, $4  }
0x6c: {  	s25 =	simm.s32 @!p0 $0x2  }
0x6d: {  	_ =	swait.ge @!p0 [sflag:s25], $0x100  }
0x6e: {  	[sflag:s25] =	ssyncset.done @!p0 $0x0  }
0x6f: {  	[sflag:s25] =	ssyncadd.s32 @!p0 $0xFFFFFF00  }
0x70: {  	_ =	sfence.sel $0x180000  }
0x71: {  	[bflag:$0x0] =	sbarrier.arrive $0xFFFF  }
0x72: {  	_ =	strace $0x9000004D  }
0x73: {  	s0 =	sadd.s32 @!p0 $0x100000, s1;
	[bflag:$0x2] =	sbarrier.arrive $0xFFFF  }
0x74: {  	[sflag:s0] =	ssyncadd.tile.s32 @!p0 $0x1;
	_ =	shalt  }
.Lfunc_end2:
_tile_overlayer_lowered:
.L_overlay_start_2:
0x75: {  	(tag) =	ssettag $0x2  }
0x76: {  	s0 =	rddreg [dreg:$0x0];
	s2 =	stileid.u32  }
0x77: {  	s1 =	rddreg [dreg:$0x1];
	p0 =	sne.s32 s2, $0x0  }
0x78: {  	s3 =	rddreg [dreg:$0x2];
	[bflag:$0x3] =	sbarrier.arrive $0xFFFF;
	s2 =	simm.s32 @!p0 $0x1C02  }
0x79: {  	[timem:s3], [sflag:s2] =	dma.local @!p0 [hbm:s0], s1  }
0x7a: {  	s0 =	simm.s32 @!p0 $0x2  }
0x7b: {  	_ =	swait.ge @!p0 [sflag:s0], s1  }
0x7c: {  	s1 =	ssub.s32 @!p0 $0x0, s1;
	[sflag:s0] =	ssyncset.done @!p0 $0x0  }
0x7d: {  	[sflag:s0] =	ssyncadd.s32 @!p0 s1  }
0x7e: {  	[bflag:$0x3] =	sbarrier.arrive $0xFFFF  }
0x7f: {  	_ =	shalt  }

// kernel: kernel.9.cloned.1.call-start
scs
__scs_entry_jumppad:
0x0: {  	(pc) =	sbr.rel $0x88, $3  }
0x1: {  	(tag) =	ssettag $0x0;
	lr =	simm.s32 $0x1  }
0x2: {  	[smem:$0x3F99] =	sst lr;
	_ =	strace $0xD0000000  }
0x3: {  	_ = 	snop  }
0x4: {  	_ = 	snop  }
0x5: {  	_ = 	snop  }
0x6: {  	_ = 	snop  }
0x7: {  	_ = 	snop  }
__scs_overlays_trampoline_lowered:
0x8: {  	[smem:$0x3FA8] =	sst s0  }
0x9: {  	[smem:$0x3FA9] =	sst s1  }
0xa: {  	[smem:$0x3FAA] =	sst s2  }
0xb: {  	[smem:$0x3FAB] =	sst s3  }
0xc: {  	[smem:$0x3FAC] =	sst s4  }
0xd: {  	[smem:$0x3FAD] =	sst s5  }
0xe: {  	[smem:$0x3FAE] =	sst s6  }
0xf: {  	[smem:$0x3FAF] =	sst s7  }
0x10: {  	[smem:$0x3FB0] =	sst s8  }
0x11: {  	[smem:$0x3FB1] =	sst s9;
	s0 =	simm.s32 @!p0 $0x0  }
0x12: {  	s1 =	sld [smem:$0x3F97];
	s0 =	simm.s32 @p0 $0x1  }
0x13: {  	[smem:$0x3FB2] =	sst s0;
	s0 =	simm.s32 @!p1 $0x0  }
0x14: {  	s2 =	sld [smem:$0x3F96];
	s0 =	simm.s32 @p1 $0x1  }
0x15: {  	[smem:$0x3FB3] =	sst s0;
	s0 =	simm.s32 @!p2 $0x0  }
0x16: {  	s3 =	sld [smem:$0x3FDB];
	s0 =	simm.s32 @p2 $0x1  }
0x17: {  	s4 =	simm.s32 $0x1BF5;
	[smem:$0x3FB5] =	sst s0  }
0x18: {  	s0 =	sld [smem:$0x3F98];
	_ =	swait.ge [sflag:s4], $0x0  }
0x19: {  	s7 =	sld [smem:$0x3F99]  }
0x1a: {  	s8 =	sadd.s32 $0xFFFFE003, lr  }
0x1b: {  	s9 =	sadd.s32 $0xFFFFFEF7, lr;
	s5 =	simm.s32 $0xFFFFFFFF;
	p2 =	slt.u32 s8, $0xFFFFF086  }
0x1c: {  	p1 =	slt.u32 s9, $0xF7A;
	s5 =	simm.s32 @!p2 $0x0  }
0x1d: {  	s5 =	simm.s32 @p1 $0x1;
	p0 =	seq.s32 s7, s2  }
0x1e: {  	s7 =	smul.u32 @!p0 $0xF7A, s2;
	p2 =	seq.s32 @!p0 s5, $0x0  }
0x1f: {  	s9 =	smul.u32 $0xF7A, s1;
	s8 =	simm.s32 @!p0 $0x1BF5;
	p2 =	por !p2, p0  }
0x20: {  	[sflag:s8] =	ssyncset.s32 @!p0 $0xFFFFF086;
	s6 =	sadd.s32 @!p0 s3, s7;
	s7 =	simm.s32 @!p0 $0x108  }
0x21: {  	s3 =	sadd.s32 s3, s9;
	s6 =	sadd.s32 @!p0 $0x88, s6;
	s7 =	simm.s32 @p2 $0x1082  }
0x22: {  	[simem:s7], [sflag:s8] =	dma.local @!p0 [hbm:s6], $0xF7A  }
0x23: {  	s9 =	sor.u32 $0xD0000000, s2;
	s6 =	simm.s32 $0x108;
	_ =	swait.ge @!p0 [sflag:s8], $0x0  }
0x24: {  	s3 =	sadd.s32 $0x88, s3;
	s6 =	simm.s32 @!p1 $0x1082;
	[sflag:s4] =	ssyncset.s32 $0xFFFFF086  }
0x25: {  	[simem:s6], [sflag:s4] =	dma.local [hbm:s3], $0xF7A  }
0x26: {  	[smem:$0x3F99] =	sst s1;
	(tag) =	ssettag s2;
	_ =	strace s9  }
0x27: {  	s1 =	sld [smem:$0x3FA9]  }
0x28: {  	s2 =	sld [smem:$0x3FAA]  }
0x29: {  	s4 =	sld [smem:$0x3FAC]  }
0x2a: {  	p0 =	seq.s32 s5, $0x0;
	s5 =	sld [smem:$0x3FAD]  }
0x2b: {  	s6 =	sld [smem:$0x3FAE]  }
0x2c: {  	s7 =	sld [smem:$0x3FAF]  }
0x2d: {  	s3 =	simm.s32 $0x108;
	s8 =	sld [smem:$0x3FB0]  }
0x2e: {  	s3 =	simm.s32 @!p0 $0x1082;
	s9 =	sld [smem:$0x3FB1]  }
0x2f: {  	lr =	sadd.s32 s0, s3;
	s0 =	sld [smem:$0x3FA8]  }
0x30: {  	s3 =	sld [smem:$0x3FAB]  }
0x31: {  	[smem:$0x3FB4] =	sst s10  }
0x32: {  	s10 =	sld [smem:$0x3FB2];
	_ =	sdelay $0x3  }
0x33: {  	p0 =	seq.s32 s10, $0x1;
	s10 =	sld [smem:$0x3FB4];
	_ =	sdelay $0x3  }
0x34: {  	[smem:$0x3FB4] =	sst s10  }
0x35: {  	s10 =	sld [smem:$0x3FB3];
	_ =	sdelay $0x3  }
0x36: {  	p1 =	seq.s32 s10, $0x1;
	s10 =	sld [smem:$0x3FB4];
	_ =	sdelay $0x3  }
0x37: {  	[smem:$0x3FB4] =	sst s10  }
0x38: {  	s10 =	sld [smem:$0x3FB5]  }
0x39: {  	_ = 	snop;
	(pc) =	sbr.ind lr, $3  }
0x3a: {  	_ = 	snop  }
0x3b: {  	_ = 	snop  }
0x3c: {  	p2 =	seq.s32 s10, $0x1;
	s10 =	sld [smem:$0x3FB4]  }
0x3d: {  	_ =	shalt  }
0x3e: {  	_ =	shalt  }
0x3f: {  	_ =	shalt  }
0x40: {  	_ =	shalt  }
0x41: {  	_ =	shalt  }
0x42: {  	_ =	shalt  }
0x43: {  	_ =	shalt  }
0x44: {  	_ =	shalt  }
0x45: {  	_ =	shalt  }
0x46: {  	_ =	shalt  }
0x47: {  	_ =	shalt  }
0x48: {  	_ =	shalt  }
0x49: {  	_ =	shalt  }
0x4a: {  	_ =	shalt  }
0x4b: {  	_ =	shalt  }
0x4c: {  	_ =	shalt  }
0x4d: {  	_ =	shalt  }
0x4e: {  	_ =	shalt  }
0x4f: {  	_ =	shalt  }
0x50: {  	_ =	shalt  }
0x51: {  	_ =	shalt  }
0x52: {  	_ =	shalt  }
0x53: {  	_ =	shalt  }
0x54: {  	_ =	shalt  }
0x55: {  	_ =	shalt  }
0x56: {  	_ =	shalt  }
0x57: {  	_ =	shalt  }
0x58: {  	_ =	shalt  }
0x59: {  	_ =	shalt  }
0x5a: {  	_ =	shalt  }
0x5b: {  	_ =	shalt  }
0x5c: {  	_ =	shalt  }
0x5d: {  	_ =	shalt  }
0x5e: {  	_ =	shalt  }
0x5f: {  	_ =	shalt  }
0x60: {  	_ =	shalt  }
0x61: {  	_ =	shalt  }
0x62: {  	_ =	shalt  }
0x63: {  	_ =	shalt  }
0x64: {  	_ =	shalt  }
0x65: {  	_ =	shalt  }
0x66: {  	_ =	shalt  }
0x67: {  	_ =	shalt  }
0x68: {  	_ =	shalt  }
0x69: {  	_ =	shalt  }
0x6a: {  	_ =	shalt  }
0x6b: {  	_ =	shalt  }
0x6c: {  	_ =	shalt  }
0x6d: {  	_ =	shalt  }
0x6e: {  	_ =	shalt  }
0x6f: {  	_ =	shalt  }
0x70: {  	_ =	shalt  }
0x71: {  	_ =	shalt  }
0x72: {  	_ =	shalt  }
0x73: {  	_ =	shalt  }
0x74: {  	_ =	shalt  }
0x75: {  	_ =	shalt  }
0x76: {  	_ =	shalt  }
0x77: {  	_ =	shalt  }
0x78: {  	_ =	shalt  }
0x79: {  	_ =	shalt  }
0x7a: {  	_ =	shalt  }
0x7b: {  	_ =	shalt  }
0x7c: {  	_ =	shalt  }
0x7d: {  	_ =	shalt  }
0x7e: {  	_ =	shalt  }
0x7f: {  	_ =	shalt  }
0x80: {  	_ =	shalt  }
0x81: {  	_ =	shalt  }
0x82: {  	_ =	shalt  }
0x83: {  	_ =	shalt  }
0x84: {  	_ =	shalt  }
0x85: {  	_ =	shalt  }
0x86: {  	_ =	shalt  }
0x87: {  	_ =	shalt  }
.Lfunc_end0:
.L_simem_size_0:
called_computation_lowered:
.L_overlay_start_0:
0x88: {  	s2 =	sld [smem:$0x3FD9]  }
0x89: {  	s3 =	sld [smem:$0x3FFE];
	_ =	sdelay $0x1  }
0x8a: {  	s1 =	srdreg.scid  }
0x8b: {  	s0 =	sand.u32 $0x1, s1  }
0x8c: {  	s17 =	sshll.u32 s0, $0xA;
	s2 =	sadd.s32 s3, s2  }
0x8d: {  	s2 =	sadd.s32 s2, s17  }
0x8e: {  	[smem:$0x3FC0] =	sst s2  }
0x8f: {  	_ = 	snop  }
0x90: {  	s2 =	sld [smem:$0x3FD0];
	(tm) =	ssettm $0x1  }
0x91: {  	s18 =	sld [smem:$0x3FFB];
	_ =	sdelay $0x3  }
0x92: {  	_ =	strace s18  }
0x93: {  	s3 =	sld [smem:$0x3FFC];
	_ =	sdelay $0x3  }
0x94: {  	_ =	strace s3  }
0x95: {  	s3 =	sld [smem:$0x3FFD];
	_ =	sdelay $0x3  }
0x96: {  	_ =	strace s3  }
0x97: {  	_ =	strace $0x8FFFFFFF  }
0x98: {  	s19 =	sld [smem:$0x3FDB];
	_ =	sdelay $0x1  }
0x99: {  	s4 =	simm.s32 $_scs_section_size  }
0x9a: {  	s5 =	simm.s32 $_size__tile_overlayer_lowered;
	s6 =	simm.s32 $_tile_overlayer_lowered  }
0x9b: {  	s22 =	simm.s32 $0x1BFF;
	s21 =	sshll.u32 s6, $0x1;
	s3 =	sadd.s32 s4, s19  }
0x9c: {  	s7 =	simm.s32 $0x0;
	s20 =	sshll.u32 s5, $0x1;
	s5 =	sadd.s32 s21, s3  }
0x9d: {  	[timem:s7], [sflag:s22] =	dma.local [hbm:s5], s20  }
0x9e: {  	_ =	swait.ge [sflag:s22], s20  }
0x9f: {  	s4 =	ssub.s32 $0x0, s20;
	[sflag:s22] =	ssyncset.done $0x0  }
0xa0: {  	[sflag:s22] =	ssyncadd.s32 s4;
	_ =	sdelay $0x1  }
0xa1: {  	s23 =	simm.s32 $0x1B8B  }
0xa2: {  	_ =	swait.ge [sflag:s23], $0x1  }
0xa3: {  	[sflag:s23] =	ssyncset.done $0x0  }
0xa4: {  	s25 =	simm.s32 $0x1B8E;
	s24 =	sld [smem:$0x3FFE];
	[sflag:s23] =	ssyncadd.s32 $0xFFFFFFFF  }
0xa5: {  	s26 =	simm.s32 $execute0_lowered;
	[smem:$0x3FD2] =	sst s25  }
0xa6: {  	s5 =	sshll.u32 s26, $0x1;
	_ =	strace $0x80000046;
	[dreg:$0x1] =	wrdreg $0xFFFFFFFF  }
0xa7: {  	s28 =	simm.s32 $_size_execute0_lowered;
	s3 =	sadd.s32 s3, s5;
	[dreg:$0x0] =	wrdreg $0x0  }
0xa8: {  	s5 =	sshll.u32 s28, $0x1;
	[dreg:$0x2] =	wrdreg s3  }
0xa9: {  	[dreg:$0x3] =	wrdreg s5  }
0xaa: {  	[dreg:$0x4] =	wrdreg $0xC0  }
0xab: {  	_ =	task [dreg:s7], $0x5FFFF  }
0xac: {  	[dreg:$0x1] =	wrdreg $0xFFFFFFFF  }
0xad: {  	[dreg:$0x0] =	wrdreg $0x60  }
0xae: {  	[dreg:$0x2] =	wrdreg s24  }
0xaf: {  	[dreg:$0x3] =	wrdreg s2  }
0xb0: {  	[dreg:$0x4] =	wrdreg $0x0  }
0xb1: {  	[dreg:$0x5] =	wrdreg $0x9  }
0xb2: {  	_ =	task.clear_ibuf [dreg:s7], $0x6FFFF;
	_ =	strace $0x90000046  }
0xb3: {  	s29 =	simm.s32 $0x9;
	_ =	strace $0x80000048  }
0xb4: {  	_ =	swait.ge [sflag:s29], $0x1  }
0xb5: {  	[sflag:s29] =	ssyncadd.s32 $0xFFFFFFFF  }
0xb6: {  	_ =	strace $0x90000048  }
0xb7: {  	_ =	sfence  }
0xb8: {  	s30 =	sld [smem:$0x0];
	_ =	sdelay $0x2  }
0xb9: {  	s31 =	sshll.u32 s1, $0xD;
	s1 =	sshrl.u32 s1, $0x2  }
0xba: {  	s3 =	sand.u32 $0x4000, s31;
	s1 =	sadd.s32 s1, s30  }
0xbb: {  	s0 =	sor.u32 s3, s0;
	s1 =	sshll.u32 s1, $0x11  }
0xbc: {  	s0 =	sor.u32 s1, s0  }
0xbd: {  	s0 =	sadd.s32 $0x8F2B, s0  }
0xbe: {  	[sflag:s0] =	ssyncadd.remote.s32 $0x1  }
0xbf: {  	_ =	sfence.sel $0xFFFF  }
0xc0: {  	[dreg:$0x0] =	wrdreg $0xFFFFFFFF;
	(pc) =	sbr.abs _section_cstart, $3  }
0xc1: {  	[dreg:$0x1] =	wrdreg $0xFFFFFFFF  }
0xc2: {  	_ =	task.clear_ibuf [dreg:s7], $0x2FFFF;
	_ =	strace $0x9FFFFFFF  }
0xc3: {  	(tm) =	ssettm $0x7FFFFFFF  }
tec
execute0_lowered:
.L_overlay_start_1:
0x0: {  	(tag) =	ssettag $0x1  }
0x1: {  	s5 =	rddreg [dreg:$0x0]  }
0x2: {  	s1 =	srdreg.scid;
	s13 =	rddreg [dreg:$0x1]  }
0x3: {  	s0 =	stileid.u32;
	s2 =	rddreg [dreg:$0x2]  }
0x4: {  	s3 =	simm.s32 $0x0;
	s18 =	simm.s32 $0x18080;
	s19 =	simm.s32 $0x50  }
0x5: {  	s20 =	simm.s32 $0x18100;
	s21 =	simm.s32 $0x1;
	s4 =	smul.u32 $0x4E20, s0  }
0x6: {  	s6 =	sand.u32 $0x1, s1;
	s1 =	rddreg [dreg:$0x3];
	s29 =	smul.u32 $0x50000, s0  }
0x7: {  	s24 =	simm.s32 $0x0;
	[smem:$0x7FF] =	sst s3;
	s16 =	smul.u32 $0x13800, s0  }
0x8: {  	s10 =	sadd.s32 $0x32800, s5;
	s17 =	smul.u32 $0x4E000, s0;
	s23 =	sadd.s32 $0x138000, s2  }
0x9: {  	p0 =	sne.s32 s0, $0x0;
	s7 =	smul.u32 $0x2710, s6;
	_ =	strace $0x80000047  }
0xa: {  	s8 =	ssub.s32 $0x2, s6;
	s11 =	smul.u32 $0x138800, s6;
	s23 =	sshrl.u32 @!p0 s23, $0x3  }
0xb: {  	s30 =	sshrl.u32 s29, $0x2;
	s31 =	sshrl.u32 s8, $0x1;
	s17 =	sshrl.u32 s17, $0x2  }
0xc: {  	s4 =	sadd.s32 s7, s4;
	s12 =	ssub.s32 s8, s31;
	s16 =	sadd.s32 s16, s11  }
0xd: {  	s11 =	sshrl.u32 s11, $0x3;
	s22 =	sadd.s32 s17, s2;
	s17 =	simm.s32 $0x18000  }
0xe: {  	s14 =	sshrl.u32 s4, $0x3;
	s4 =	sadd.s32 $0xB600, s5;
	s16 =	sshrl.u32 s16, $0x3  }
0xf: {  	s11 =	sadd.s32 s10, s11;
	s12 =	smax.u32 s12, $0x1;
	s22 =	sshrl.u32 s22, $0x3  }
0x10: {  	s15 =	sadd.s32 s14, s5;
	s5 =	sadd.s32 s30, s2;
	s10 =	sadd.s32 s10, s16  }
0x11: {  	s11 =	sadd.s32 $0x27000, s11;
	s13 =	sadd.s32 s14, s13;
	s16 =	simm.s32 $0x2  }
0x12: {  	s6 =	sadd.s32 $0x4000, s5;
	s7 =	sadd.s32 $0x8000, s5;
	s8 =	sadd.s32 $0xC000, s5  }
0x13: {  	v0 =	vimm.f32 $0.0e+00;
	s9 =	sadd.s32 $0x10000, s5;
	s14 =	sadd.s32 $0x1800, s15;
	s15 =	simm.s32 $0x14000  }
.LBB2_1:
0x14: {  	s25 =	sand.u32 $0xFE00, s3  }
0x15: {  	s26 =	sand.u32 $0x70, s3;
	s28 =	sshrl.u32 s25, $0x2  }
0x16: {  	s25 =	simm.s32 $0x40;
	s28 =	sor.u32 s26, s28;
	s26 =	simm.s32 $0x0  }
.LBB2_2:
0x17: {  	p1 =	sne.s32 s25, $0xFFC0  }
0x18: {  	[tilespmem:s28+$0x14000] =	vst v0;
	s26 =	sadd.s32 $0x10, s26;
	s28 =	smov.u32 s25;
	s25 =	sadd.s32 $0x40, s25  }
.Ltmp0:
0x19: {  	(pc) =	sbr.rel @p1 .LBB2_2-.Ltmp0, $4  }
0x1a: {  	_ = 	snop  }
0x1b: {  	s28 =	sand.u32 $0xFE00, s28  }
0x1c: {  	s29 =	sand.u32 $0x70, s26;
	s28 =	sshrl.u32 s28, $0x2  }
0x1d: {  	s28 =	sor.u32 s29, s28  }
0x1e: {  	[tilespmem:s28+$0x14000] =	vst v0  }
0x1f: {  	[spmem:s5] =	stream.linear.scatter [tilespmem:s15], [sflag:$0x2], $0x4000, $0x38;
	[tilespmem:$0x1A900] =	vst v63  }
0x20: {  	_ =	swait.ge [sflag:s16], $0x4000  }
0x21: {  	[sflag:s16] =	ssyncset.done $0x0  }
0x22: {  	[sflag:s16] =	ssyncadd.s32 $0xFFFFC000  }
0x23: {  	[spmem:s6] =	stream.linear.scatter [tilespmem:s15], [sflag:$0x2], $0x4000, $0x38;
	[tilespmem:$0x1A900] =	vst v63  }
0x24: {  	_ =	swait.ge [sflag:s16], $0x4000  }
0x25: {  	[sflag:s16] =	ssyncset.done $0x0  }
0x26: {  	[sflag:s16] =	ssyncadd.s32 $0xFFFFC000  }
0x27: {  	[spmem:s7] =	stream.linear.scatter [tilespmem:s15], [sflag:$0x2], $0x4000, $0x38;
	[tilespmem:$0x1A900] =	vst v63  }
0x28: {  	_ =	swait.ge [sflag:s16], $0x4000  }
0x29: {  	[sflag:s16] =	ssyncset.done $0x0  }
0x2a: {  	[sflag:s16] =	ssyncadd.s32 $0xFFFFC000  }
0x2b: {  	[spmem:s8] =	stream.linear.scatter [tilespmem:s15], [sflag:$0x2], $0x4000, $0x38;
	[tilespmem:$0x1A900] =	vst v63  }
0x2c: {  	_ =	swait.ge [sflag:s16], $0x4000  }
0x2d: {  	[sflag:s16] =	ssyncset.done $0x0  }
0x2e: {  	[sflag:s16] =	ssyncadd.s32 $0xFFFFC000  }
0x2f: {  	[spmem:s9] =	stream.linear.scatter [tilespmem:s15], [sflag:$0x2], $0x4000, $0x38;
	[tilespmem:$0x1A900] =	vst v63  }
0x30: {  	_ =	swait.ge [sflag:s16], $0x4000  }
0x31: {  	[sflag:s16] =	ssyncset.done $0x0  }
0x32: {  	[sflag:s16] =	ssyncadd.s32 $0xFFFFC000  }
0x33: {  	s25 =	sadd.s32 $0x0, s14;
	[bflag:$0x0] =	sbarrier.arrive $0xFFFF  }
0x34: {  	[tilespmem:s17], [sflag:$0x2] =	stream.linear.gather [hbm4b:s25+s3], $0x50, $0x38;
	[tilespmem:$0x1A900] =	vst v63  }
0x35: {  	_ =	swait.ge [sflag:s16], $0x50  }
0x36: {  	[sflag:s16] =	ssyncset.done $0x0  }
0x37: {  	s31 =	sadd.s32 $0x0, s13;
	[sflag:s16] =	ssyncadd.s32 $0xFFFFFFB0  }
0x38: {  	[tilespmem:s18], [sflag:$0x2] =	stream.linear.gather [hbm4b:s31+s3], $0x50, $0x38;
	[tilespmem:$0x1A900] =	vst v63  }
0x39: {  	_ =	swait.ge [sflag:s16], $0x50  }
0x3a: {  	[sflag:s16] =	ssyncset.done $0x0  }
0x3b: {  	[sflag:s16] =	ssyncadd.s32 $0xFFFFFFB0  }
0x3c: {  	[tilespmem:s20], [sflag:$0x1] =	stream.indirect.gather [hbm4b:s4+s19], $0x80, s17, s19, $0xb8;
	[tilespmem:$0x1A900] =	vst v63  }
0x3d: {  	_ =	swait.ge [sflag:s21], $0x2800  }
0x3e: {  	[sflag:s21] =	ssyncset.done $0x0  }
0x3f: {  	[sflag:s21] =	ssyncadd.s32 $0xFFFFD800  }
0x40: {  	[spmem:s2] =	stream.indirect.scatter.add.f32 [tilespmem:s20], [sflag:$0x2], $0x80, s18, s19, $0xb8;
	[tilespmem:$0x1A900] =	vst v63  }
0x41: {  	_ =	swait.ge [sflag:s16], $0x2800  }
0x42: {  	s26 =	simm.s32 $0x14;
	s25 =	simm.s32 $0xA;
	[sflag:s16] =	ssyncset.done $0x0  }
.LBB2_4:
0x43: {  	s28 =	sadd.s32 s25, s14  }
0x44: {  	[sflag:s16] =	ssyncadd.s32 $0xFFFFD800;
	s29 =	smov.u32 s26;
	s30 =	sadd.s32 $0xA, s26  }
0x45: {  	[tilespmem:s17], [sflag:$0x2] =	stream.linear.gather [hbm4b:s28+s3], $0x50, $0x38;
	[tilespmem:$0x1A900] =	vst v63  }
0x46: {  	p1 =	sne.s32 s26, $0x4D8;
	_ =	swait.ge [sflag:s16], $0x50  }
0x47: {  	[sflag:s16] =	ssyncset.done $0x0  }
0x48: {  	s26 =	sadd.s32 s25, s13;
	s25 =	smov.u32 s29;
	[sflag:s16] =	ssyncadd.s32 $0xFFFFFFB0  }
0x49: {  	[tilespmem:s18], [sflag:$0x2] =	stream.linear.gather [hbm4b:s26+s3], $0x50, $0x38;
	[tilespmem:$0x1A900] =	vst v63  }
0x4a: {  	_ =	swait.ge [sflag:s16], $0x50  }
0x4b: {  	[sflag:s16] =	ssyncset.done $0x0  }
0x4c: {  	[sflag:s16] =	ssyncadd.s32 $0xFFFFFFB0  }
0x4d: {  	[tilespmem:s20], [sflag:$0x1] =	stream.indirect.gather [hbm4b:s4+s19], $0x80, s17, s19, $0xb8;
	[tilespmem:$0x1A900] =	vst v63  }
0x4e: {  	_ =	swait.ge [sflag:s21], $0x2800  }
.Ltmp1:
0x4f: {  	[sflag:s21] =	ssyncset.done $0x0;
	(pc) =	sbr.rel @p1 .LBB2_4-.Ltmp1, $4  }
0x50: {  	[sflag:s21] =	ssyncadd.s32 $0xFFFFD800  }
0x51: {  	[spmem:s2] =	stream.indirect.scatter.add.f32 [tilespmem:s20], [sflag:$0x2], $0x80, s18, s19, $0xb8;
	[tilespmem:$0x1A900] =	vst v63  }
0x52: {  	_ =	swait.ge [sflag:s16], $0x2800  }
0x53: {  	s26 =	smov.u32 s30;
	[sflag:s16] =	ssyncset.done $0x0  }
0x54: {  	s26 =	sadd.s32 s25, s14;
	[sflag:s16] =	ssyncadd.s32 $0xFFFFD800  }
0x55: {  	[tilespmem:s17], [sflag:$0x2] =	stream.linear.gather [hbm4b:s26+s3], $0x50, $0x38;
	[tilespmem:$0x1A900] =	vst v63  }
0x56: {  	_ =	swait.ge [sflag:s16], $0x50  }
0x57: {  	[sflag:s16] =	ssyncset.done $0x0  }
0x58: {  	s30 =	sadd.s32 s25, s13;
	[sflag:s16] =	ssyncadd.s32 $0xFFFFFFB0  }
0x59: {  	[tilespmem:s18], [sflag:$0x2] =	stream.linear.gather [hbm4b:s30+s3], $0x50, $0x38;
	[tilespmem:$0x1A900] =	vst v63  }
0x5a: {  	_ =	swait.ge [sflag:s16], $0x50  }
0x5b: {  	[sflag:s16] =	ssyncset.done $0x0  }
0x5c: {  	[sflag:s16] =	ssyncadd.s32 $0xFFFFFFB0  }
0x5d: {  	[tilespmem:s20], [sflag:$0x1] =	stream.indirect.gather [hbm4b:s4+s19], $0x80, s17, s19, $0xb8;
	[tilespmem:$0x1A900] =	vst v63  }
0x5e: {  	_ =	swait.ge [sflag:s21], $0x2800  }
0x5f: {  	[sflag:s21] =	ssyncset.done $0x0  }
0x60: {  	[sflag:s21] =	ssyncadd.s32 $0xFFFFD800  }
0x61: {  	[spmem:s2] =	stream.indirect.scatter.add.f32 [tilespmem:s20], [sflag:$0x2], $0x80, s18, s19, $0xb8;
	[tilespmem:$0x1A900] =	vst v63  }
0x62: {  	_ =	swait.ge [sflag:s16], $0x2800  }
0x63: {  	[sflag:s16] =	ssyncset.done $0x0  }
0x64: {  	s31 =	sshll.u32 s0, $0x6;
	[sflag:s16] =	ssyncadd.s32 $0xFFFFD800  }
0x65: {  	s25 =	sor.u32 $0x1C02, s31;
	[bflag:$0x0] =	sbarrier.arrive $0xFFFF  }
0x66: {  	[hbm:s10], [sflag:s25] =	dma.local [spmem:s22], $0x2700  }
0x67: {  	_ =	swait.ge [sflag:s16], $0x2700  }
0x68: {  	s24 =	sadd.s32 $0x1, s24;
	[sflag:s16] =	ssyncset.done $0x0  }
0x69: {  	p1 =	sne.s32 s24, s12;
	[sflag:s16] =	ssyncadd.s32 $0xFFFFD900  }
0x6a: {  	[hbm:s11], [sflag:s25] =	dma.local @!p0 [spmem:s23], $0x100  }
.Ltmp2:
0x6b: {  	_ = 	snop;
	(pc) =	sbr.rel @p1 .LBB2_1-.Ltmp2, $4  }
0x6c: {  	s25 =	simm.s32 @!p0 $0x2  }
0x6d: {  	_ =	swait.ge @!p0 [sflag:s25], $0x100  }
0x6e: {  	[sflag:s25] =	ssyncset.done @!p0 $0x0  }
0x6f: {  	[sflag:s25] =	ssyncadd.s32 @!p0 $0xFFFFFF00  }
0x70: {  	_ =	sfence.sel $0x180000  }
0x71: {  	[bflag:$0x0] =	sbarrier.arrive $0xFFFF  }
0x72: {  	_ =	strace $0x90000047  }
0x73: {  	s0 =	sadd.s32 @!p0 $0x100000, s1;
	[bflag:$0x2] =	sbarrier.arrive $0xFFFF  }
0x74: {  	[sflag:s0] =	ssyncadd.tile.s32 @!p0 $0x1;
	_ =	shalt  }
.Lfunc_end2:
_tile_overlayer_lowered:
.L_overlay_start_2:
0x75: {  	(tag) =	ssettag $0x2  }
0x76: {  	s0 =	rddreg [dreg:$0x0];
	s2 =	stileid.u32  }
0x77: {  	s1 =	rddreg [dreg:$0x1];
	p0 =	sne.s32 s2, $0x0  }
0x78: {  	s3 =	rddreg [dreg:$0x2];
	[bflag:$0x3] =	sbarrier.arrive $0xFFFF;
	s2 =	simm.s32 @!p0 $0x1C02  }
0x79: {  	[timem:s3], [sflag:s2] =	dma.local @!p0 [hbm:s0], s1  }
0x7a: {  	s0 =	simm.s32 @!p0 $0x2  }
0x7b: {  	_ =	swait.ge @!p0 [sflag:s0], s1  }
0x7c: {  	s1 =	ssub.s32 @!p0 $0x0, s1;
	[sflag:s0] =	ssyncset.done @!p0 $0x0  }
0x7d: {  	[sflag:s0] =	ssyncadd.s32 @!p0 s1  }
0x7e: {  	[bflag:$0x3] =	sbarrier.arrive $0xFFFF  }
0x7f: {  	_ =	shalt  }

</sc_bundles>
